<compile_context>
chip_gen: v7x
topology: tpu7x:2x2x1
jax: 0.10.2.dev20260603
libtpu: 0.0.44.dev20260713+nightly
codegen_flags: <defaults>
</compile_context>

<pallas_src>
import jax
import jax.numpy as jnp
from jax import lax
from jax.experimental import pallas as pl
from jax.experimental.pallas import tpu as pltpu
from jax.experimental.pallas import tpu_sc as plsc

B = 16384
D = 32
NC = 2
NS = 16
NW = NC * NS
CHUNK = B // NW
QROWS = CHUNK // 128
NITEMS = 1_000_000


def _body(user_hbm, item_hbm, u_hbm, sig_hbm, v_hbm, ub_hbm, ib_hbm,
          out_hbm, uidx, iidx, urows, vrows, ud, vtd, ubv, ibv, sig, outv,
          sem):
  wid = lax.axis_index("s") * NC + lax.axis_index("c")
  r0 = wid * QROWS
  base = wid * CHUNK
  iota = lax.iota(jnp.int32, 16)

  pltpu.sync_copy(user_hbm.at[pl.ds(r0, QROWS)], uidx)
  pltpu.sync_copy(item_hbm.at[pl.ds(r0, QROWS)], iidx)
  pltpu.sync_copy(sig_hbm, sig)

  copies = []
  for q in range(QROWS):
    copies.append(pltpu.async_copy(ub_hbm.at[uidx.at[q]], ubv.at[q], sem))
    copies.append(pltpu.async_copy(ib_hbm.at[iidx.at[q]], ibv.at[q], sem))
    copies.append(
        pltpu.async_copy(u_hbm.at[uidx.at[q]],
                         urows.at[pl.ds(q * 128, 128)], sem))
    copies.append(
        pltpu.async_copy(v_hbm.at[iidx.at[q]],
                         vrows.at[pl.ds(q * 128, 128)], sem))
  for cp in copies:
    cp.wait()

  dvec = iota * CHUNK

  def transpose(j, _):
    for h in range(2):
      idx = dvec + (h * 16 * CHUNK + j)
      plsc.store_scatter(ud, [idx], urows[j, pl.ds(h * 16, 16)])
      plsc.store_scatter(vtd, [idx], vrows[j, pl.ds(h * 16, 16)])
    return 0

  lax.fori_loop(0, CHUNK, transpose, 0)

  def compute(jc, _):
    row = jc // 8
    col = (jc % 8) * 16
    sig_lo = sig[pl.ds(0, 16)]
    sig_hi = sig[pl.ds(16, 16)]
    acc = ubv[row, pl.ds(col, 16)] + ibv[row, pl.ds(col, 16)]
    for d in range(D):
      sig_d = sig_lo[d] if d < 16 else sig_hi[d - 16]
      vt_chunk = vtd[pl.ds(d * CHUNK + jc * 16, 16)]
      u_chunk = ud[pl.ds(d * CHUNK + jc * 16, 16)]
      acc = acc + (sig_d * vt_chunk) * u_chunk
    outv[pl.ds(jc * 16, 16)] = acc
    return 0

  lax.fori_loop(0, CHUNK // 16, compute, 0)

  pltpu.sync_copy(outv, out_hbm.at[pl.ds(base, CHUNK)])


@jax.jit
def _svd_predict(user2d, item2d, U, Sigma, V, user_bias, item_bias):
  mesh = plsc.VectorSubcoreMesh(core_axis_name="c", subcore_axis_name="s",
                                num_cores=NC, num_subcores=NS)
  return pl.kernel(
      _body,
      out_type=jax.ShapeDtypeStruct((B,), jnp.float32),
      mesh=mesh,
      compiler_params=pltpu.CompilerParams(needs_layout_passes=False,
                                           use_tc_tiling_on_sc=False),
      scratch_types=[
          pltpu.VMEM((QROWS, 128), jnp.int32),
          pltpu.VMEM((QROWS, 128), jnp.int32),
          pltpu.VMEM((CHUNK, D), jnp.float32),
          pltpu.VMEM((CHUNK, D), jnp.float32),
          pltpu.VMEM((CHUNK * D,), jnp.float32),
          pltpu.VMEM((CHUNK * D,), jnp.float32),
          pltpu.VMEM((QROWS, 128), jnp.float32),
          pltpu.VMEM((QROWS, 128), jnp.float32),
          pltpu.VMEM((D,), jnp.float32),
          pltpu.VMEM((CHUNK,), jnp.float32),
          pltpu.SemaphoreType.DMA,
      ],
  )(user2d, item2d, U, Sigma, V, user_bias, item_bias)


def kernel(user, item, U, Sigma, VT, user_bias, item_bias):
  user2d = user.reshape(B // 128, 128)
  item2d = item.reshape(B // 128, 128)
  return _svd_predict(user2d, item2d, U, Sigma, VT.T, user_bias, item_bias)

# --- scband reference (transcript-rebuilt; emitter-appended) ---
"""Pipeline reference for scband-svd-49151605736178 (READ-ONLY COPY).

The authoritative reference and input builder live on the scoring server;
editing this copy changes nothing except your own understanding.
"""

import jax, jax.numpy as jnp
import numpy as np

NUM_USERS = 1000000
NUM_ITEMS = 1000000
EMBED_DIM = 32
BATCH = 16384


def setup_inputs(seed: int = 0) -> dict:
    key = jax.random.key(seed)
    k_user, k_item, k_U, k_S, k_VT, k_ub, k_ib = jax.random.split(key, 7)
    user = jax.random.randint(k_user, (BATCH,), 0, NUM_USERS, dtype=jnp.int64 if jax.config.jax_enable_x64 else jnp.int32).astype(jnp.int32)
    item = jax.random.randint(k_item, (BATCH,), 0, NUM_ITEMS, dtype=jnp.int32)
    U = jax.random.normal(k_U, (NUM_USERS, EMBED_DIM), dtype=jnp.float32)
    Sigma = jax.random.normal(k_S, (EMBED_DIM,), dtype=jnp.float32)
    VT = jax.random.normal(k_VT, (EMBED_DIM, NUM_ITEMS), dtype=jnp.float32)
    user_bias = jax.random.normal(k_ub, (NUM_USERS,), dtype=jnp.float32)
    item_bias = jax.random.normal(k_ib, (NUM_ITEMS,), dtype=jnp.float32)
    return {"user": user, "item": item, "U": U, "Sigma": Sigma, "VT": VT,
            "user_bias": user_bias, "item_bias": item_bias}


def reference(user, item, U, Sigma, VT, user_bias, item_bias):
    # user_embedded = U[user] * Sigma
    user_embedded = jnp.take(U, user, axis=0) * Sigma  # [B, D]
    # item_embedded = VT[:, item].t()
    item_embedded = jnp.take(VT, item, axis=1).T  # [B, D]
    ub = jnp.take(user_bias, user, axis=0)  # [B]
    ib = jnp.take(item_bias, item, axis=0)  # [B]
    dot_product = jnp.sum(user_embedded * item_embedded, axis=1)  # [B]
    prediction = dot_product + ub + ib
    return prediction

if __name__ == "__main__":
    import jax
    _d = setup_inputs()
    print(jax.jit(kernel)(*tuple(_d.values())))

</pallas_src>

<mosaic_0001>
#map = affine_map<(d0, d1) -> (0, 0)>
#map1 = affine_map<(d0, d1) -> (0)>
module attributes {stable_mosaic.version = 14 : i64} {
  func.func @_body(%arg0: i32, %arg1: i32, %arg2: memref<128x128xi32, #tpu.memory_space<hbm>>, %arg3: memref<128x128xi32, #tpu.memory_space<hbm>>, %arg4: memref<1000000x32xf32, #tpu.memory_space<hbm>>, %arg5: memref<32xf32, #tpu.memory_space<hbm>>, %arg6: memref<1000000x32xf32, #tpu.memory_space<hbm>>, %arg7: memref<1000000xf32, #tpu.memory_space<hbm>>, %arg8: memref<1000000xf32, #tpu.memory_space<hbm>>, %arg9: memref<16384xf32, #tpu.memory_space<hbm>>, %arg10: memref<4x128xi32, #tpu.memory_space<vmem>>, %arg11: memref<4x128xi32, #tpu.memory_space<vmem>>, %arg12: memref<512x32xf32, #tpu.memory_space<vmem>>, %arg13: memref<512x32xf32, #tpu.memory_space<vmem>>, %arg14: memref<16384xf32, #tpu.memory_space<vmem>>, %arg15: memref<16384xf32, #tpu.memory_space<vmem>>, %arg16: memref<4x128xf32, #tpu.memory_space<vmem>>, %arg17: memref<4x128xf32, #tpu.memory_space<vmem>>, %arg18: memref<32xf32, #tpu.memory_space<vmem>>, %arg19: memref<512xf32, #tpu.memory_space<vmem>>, %arg20: memref<!tpu.dma_semaphore, #tpu.memory_space<semaphore_mem>>) attributes {dimension_semantics = [#tpu.dimension_semantics<core_parallel>, #tpu.dimension_semantics<subcore_parallel>], iteration_bounds = array<i64: 2, 16>, scalar_prefetch = 0 : i64, scratch_operands = 11 : i64, tpu.core_type = #tpu.core_type<sc_vector_subcore>, window_params = [{transform_indices = #map}, {transform_indices = #map}, {transform_indices = #map}, {transform_indices = #map1}, {transform_indices = #map}, {transform_indices = #map1}, {transform_indices = #map1}, {transform_indices = #map1}]} {
    %mul3A = arith.constant 2 : i32
    %mul3A_0 = arith.muli %arg1, %mul3A : i32
    %add3A = arith.addi %mul3A_0, %arg0 : i32
    %mul3A_1 = arith.constant 4 : i32
    %mul3A_2 = arith.muli %add3A, %mul3A_1 : i32
    %mul3A_3 = arith.constant 512 : i32
    %mul3A_4 = arith.muli %add3A, %mul3A_3 : i32
    %iota3A = tpu.iota {dimensions = array<i32: 0>} : vector<16xi32>
    "tpu.region"() ({
      %run_scoped3A = tpu.sem_alloc : memref<!tpu.dma_semaphore, #tpu.memory_space<semaphore_mem>>
      %dma_start3A_339 = arith.constant 0 : i32
      %dma_start3A_340 = tpu.memref_slice %arg2[%mul3A_2, %dma_start3A_339] : memref<128x128xi32, #tpu.memory_space<hbm>> -> memref<4x128xi32, #tpu.memory_space<hbm>>
      %dma_start3A_341 = arith.constant 0 : i32
      %dma_start3A_342 = tpu.memref_slice %arg2[%mul3A_2, %dma_start3A_341] : memref<128x128xi32, #tpu.memory_space<hbm>> -> memref<4x128xi32, #tpu.memory_space<hbm>>
      tpu.enqueue_dma source(%dma_start3A_342 : memref<4x128xi32, #tpu.memory_space<hbm>>) target(%arg10 : memref<4x128xi32, #tpu.memory_space<vmem>>) target_semaphore(%run_scoped3A : memref<!tpu.dma_semaphore, #tpu.memory_space<semaphore_mem>>)
      %dma_wait3A_343 = arith.constant 0 : i32
      %dma_wait3A_344 = tpu.memref_slice %arg2[%mul3A_2, %dma_wait3A_343] : memref<128x128xi32, #tpu.memory_space<hbm>> -> memref<4x128xi32, #tpu.memory_space<hbm>>
      %dma_wait3A_345 = arith.constant 0 : i32
      %dma_wait3A_346 = tpu.memref_slice %arg2[%mul3A_2, %dma_wait3A_345] : memref<128x128xi32, #tpu.memory_space<hbm>> -> memref<4x128xi32, #tpu.memory_space<hbm>>
      tpu.wait_dma2 semaphore(%run_scoped3A : memref<!tpu.dma_semaphore, #tpu.memory_space<semaphore_mem>>) src(%dma_wait3A_346 : memref<4x128xi32, #tpu.memory_space<hbm>>) dst(%arg10 : memref<4x128xi32, #tpu.memory_space<vmem>>)
      tpu.yield
    }) : () -> ()
    "tpu.region"() ({
      %run_scoped3A = tpu.sem_alloc : memref<!tpu.dma_semaphore, #tpu.memory_space<semaphore_mem>>
      %dma_start3A_339 = arith.constant 0 : i32
      %dma_start3A_340 = tpu.memref_slice %arg3[%mul3A_2, %dma_start3A_339] : memref<128x128xi32, #tpu.memory_space<hbm>> -> memref<4x128xi32, #tpu.memory_space<hbm>>
      %dma_start3A_341 = arith.constant 0 : i32
      %dma_start3A_342 = tpu.memref_slice %arg3[%mul3A_2, %dma_start3A_341] : memref<128x128xi32, #tpu.memory_space<hbm>> -> memref<4x128xi32, #tpu.memory_space<hbm>>
      tpu.enqueue_dma source(%dma_start3A_342 : memref<4x128xi32, #tpu.memory_space<hbm>>) target(%arg11 : memref<4x128xi32, #tpu.memory_space<vmem>>) target_semaphore(%run_scoped3A : memref<!tpu.dma_semaphore, #tpu.memory_space<semaphore_mem>>)
      %dma_wait3A_343 = arith.constant 0 : i32
      %dma_wait3A_344 = tpu.memref_slice %arg3[%mul3A_2, %dma_wait3A_343] : memref<128x128xi32, #tpu.memory_space<hbm>> -> memref<4x128xi32, #tpu.memory_space<hbm>>
      %dma_wait3A_345 = arith.constant 0 : i32
      %dma_wait3A_346 = tpu.memref_slice %arg3[%mul3A_2, %dma_wait3A_345] : memref<128x128xi32, #tpu.memory_space<hbm>> -> memref<4x128xi32, #tpu.memory_space<hbm>>
      tpu.wait_dma2 semaphore(%run_scoped3A : memref<!tpu.dma_semaphore, #tpu.memory_space<semaphore_mem>>) src(%dma_wait3A_346 : memref<4x128xi32, #tpu.memory_space<hbm>>) dst(%arg11 : memref<4x128xi32, #tpu.memory_space<vmem>>)
      tpu.yield
    }) : () -> ()
    "tpu.region"() ({
      %run_scoped3A = tpu.sem_alloc : memref<!tpu.dma_semaphore, #tpu.memory_space<semaphore_mem>>
      tpu.enqueue_dma source(%arg5 : memref<32xf32, #tpu.memory_space<hbm>>) target(%arg18 : memref<32xf32, #tpu.memory_space<vmem>>) target_semaphore(%run_scoped3A : memref<!tpu.dma_semaphore, #tpu.memory_space<semaphore_mem>>)
      tpu.wait_dma2 semaphore(%run_scoped3A : memref<!tpu.dma_semaphore, #tpu.memory_space<semaphore_mem>>) src(%arg5 : memref<32xf32, #tpu.memory_space<hbm>>) dst(%arg18 : memref<32xf32, #tpu.memory_space<vmem>>)
      tpu.yield
    }) : () -> ()
    %dma_start3A = arith.constant 0 : i32
    %dma_start3A_5 = arith.constant 0 : i32
    %dma_start3A_6 = arith.constant 0 : i32
    %dma_start3A_7 = tpu.memref_slice %arg16[%dma_start3A_5, %dma_start3A_6] : memref<4x128xf32, #tpu.memory_space<vmem>> -> memref<1x128xf32, #tpu.memory_space<vmem>>
    %dma_start3A_8 = tpu.memref_squeeze %dma_start3A_7 : memref<1x128xf32, #tpu.memory_space<vmem>> -> memref<128xf32, #tpu.memory_space<vmem>>
    %dma_start3A_9 = arith.constant 0 : i32
    %dma_start3A_10 = tpu.memref_slice %arg10[%dma_start3A, %dma_start3A_9] : memref<4x128xi32, #tpu.memory_space<vmem>> -> memref<1x128xi32, #tpu.memory_space<vmem>>
    %dma_start3A_11 = tpu.memref_squeeze %dma_start3A_10 : memref<1x128xi32, #tpu.memory_space<vmem>> -> memref<128xi32, #tpu.memory_space<vmem>>
    %dma_start3A_12 = arith.constant 0 : i32
    %dma_start3A_13 = tpu.memref_slice %arg7[%dma_start3A_12] : memref<1000000xf32, #tpu.memory_space<hbm>> -> memref<1000000xf32, #tpu.memory_space<hbm>>
    tpu.enqueue_indirect_dma source(%dma_start3A_13 : memref<1000000xf32, #tpu.memory_space<hbm>>) target(%dma_start3A_8 : memref<128xf32, #tpu.memory_space<vmem>>) offsets(%dma_start3A_11 : memref<128xi32, #tpu.memory_space<vmem>>) semaphore(%arg20 : memref<!tpu.dma_semaphore, #tpu.memory_space<semaphore_mem>>)
    %dma_start3A_14 = arith.constant 0 : i32
    %dma_start3A_15 = arith.constant 0 : i32
    %dma_start3A_16 = arith.constant 0 : i32
    %dma_start3A_17 = tpu.memref_slice %arg17[%dma_start3A_15, %dma_start3A_16] : memref<4x128xf32, #tpu.memory_space<vmem>> -> memref<1x128xf32, #tpu.memory_space<vmem>>
    %dma_start3A_18 = tpu.memref_squeeze %dma_start3A_17 : memref<1x128xf32, #tpu.memory_space<vmem>> -> memref<128xf32, #tpu.memory_space<vmem>>
    %dma_start3A_19 = arith.constant 0 : i32
    %dma_start3A_20 = tpu.memref_slice %arg11[%dma_start3A_14, %dma_start3A_19] : memref<4x128xi32, #tpu.memory_space<vmem>> -> memref<1x128xi32, #tpu.memory_space<vmem>>
    %dma_start3A_21 = tpu.memref_squeeze %dma_start3A_20 : memref<1x128xi32, #tpu.memory_space<vmem>> -> memref<128xi32, #tpu.memory_space<vmem>>
    %dma_start3A_22 = arith.constant 0 : i32
    %dma_start3A_23 = tpu.memref_slice %arg8[%dma_start3A_22] : memref<1000000xf32, #tpu.memory_space<hbm>> -> memref<1000000xf32, #tpu.memory_space<hbm>>
    tpu.enqueue_indirect_dma source(%dma_start3A_23 : memref<1000000xf32, #tpu.memory_space<hbm>>) target(%dma_start3A_18 : memref<128xf32, #tpu.memory_space<vmem>>) offsets(%dma_start3A_21 : memref<128xi32, #tpu.memory_space<vmem>>) semaphore(%arg20 : memref<!tpu.dma_semaphore, #tpu.memory_space<semaphore_mem>>)
    %dma_start3A_24 = arith.constant 0 : i32
    %dma_start3A_25 = arith.constant 0 : i32
    %dma_start3A_26 = arith.constant 0 : i32
    %dma_start3A_27 = tpu.memref_slice %arg12[%dma_start3A_25, %dma_start3A_26] : memref<512x32xf32, #tpu.memory_space<vmem>> -> memref<128x32xf32, #tpu.memory_space<vmem>>
    %dma_start3A_28 = arith.constant 0 : i32
    %dma_start3A_29 = tpu.memref_slice %arg10[%dma_start3A_24, %dma_start3A_28] : memref<4x128xi32, #tpu.memory_space<vmem>> -> memref<1x128xi32, #tpu.memory_space<vmem>>
    %dma_start3A_30 = tpu.memref_squeeze %dma_start3A_29 : memref<1x128xi32, #tpu.memory_space<vmem>> -> memref<128xi32, #tpu.memory_space<vmem>>
    %dma_start3A_31 = arith.constant 0 : i32
    %dma_start3A_32 = arith.constant 0 : i32
    %dma_start3A_33 = tpu.memref_slice %arg4[%dma_start3A_31, %dma_start3A_32] : memref<1000000x32xf32, #tpu.memory_space<hbm>> -> memref<1000000x32xf32, #tpu.memory_space<hbm>>
    tpu.enqueue_indirect_dma source(%dma_start3A_33 : memref<1000000x32xf32, #tpu.memory_space<hbm>>) target(%dma_start3A_27 : memref<128x32xf32, #tpu.memory_space<vmem>>) offsets(%dma_start3A_30 : memref<128xi32, #tpu.memory_space<vmem>>) semaphore(%arg20 : memref<!tpu.dma_semaphore, #tpu.memory_space<semaphore_mem>>)
    %dma_start3A_34 = arith.constant 0 : i32
    %dma_start3A_35 = arith.constant 0 : i32
    %dma_start3A_36 = arith.constant 0 : i32
    %dma_start3A_37 = tpu.memref_slice %arg13[%dma_start3A_35, %dma_start3A_36] : memref<512x32xf32, #tpu.memory_space<vmem>> -> memref<128x32xf32, #tpu.memory_space<vmem>>
    %dma_start3A_38 = arith.constant 0 : i32
    %dma_start3A_39 = tpu.memref_slice %arg11[%dma_start3A_34, %dma_start3A_38] : memref<4x128xi32, #tpu.memory_space<vmem>> -> memref<1x128xi32, #tpu.memory_space<vmem>>
    %dma_start3A_40 = tpu.memref_squeeze %dma_start3A_39 : memref<1x128xi32, #tpu.memory_space<vmem>> -> memref<128xi32, #tpu.memory_space<vmem>>
    %dma_start3A_41 = arith.constant 0 : i32
    %dma_start3A_42 = arith.constant 0 : i32
    %dma_start3A_43 = tpu.memref_slice %arg6[%dma_start3A_41, %dma_start3A_42] : memref<1000000x32xf32, #tpu.memory_space<hbm>> -> memref<1000000x32xf32, #tpu.memory_space<hbm>>
    tpu.enqueue_indirect_dma source(%dma_start3A_43 : memref<1000000x32xf32, #tpu.memory_space<hbm>>) target(%dma_start3A_37 : memref<128x32xf32, #tpu.memory_space<vmem>>) offsets(%dma_start3A_40 : memref<128xi32, #tpu.memory_space<vmem>>) semaphore(%arg20 : memref<!tpu.dma_semaphore, #tpu.memory_space<semaphore_mem>>)
    %dma_start3A_44 = arith.constant 1 : i32
    %dma_start3A_45 = arith.constant 1 : i32
    %dma_start3A_46 = arith.constant 0 : i32
    %dma_start3A_47 = tpu.memref_slice %arg16[%dma_start3A_45, %dma_start3A_46] : memref<4x128xf32, #tpu.memory_space<vmem>> -> memref<1x128xf32, #tpu.memory_space<vmem>>
    %dma_start3A_48 = tpu.memref_squeeze %dma_start3A_47 : memref<1x128xf32, #tpu.memory_space<vmem>> -> memref<128xf32, #tpu.memory_space<vmem>>
    %dma_start3A_49 = arith.constant 0 : i32
    %dma_start3A_50 = tpu.memref_slice %arg10[%dma_start3A_44, %dma_start3A_49] : memref<4x128xi32, #tpu.memory_space<vmem>> -> memref<1x128xi32, #tpu.memory_space<vmem>>
    %dma_start3A_51 = tpu.memref_squeeze %dma_start3A_50 : memref<1x128xi32, #tpu.memory_space<vmem>> -> memref<128xi32, #tpu.memory_space<vmem>>
    %dma_start3A_52 = arith.constant 0 : i32
    %dma_start3A_53 = tpu.memref_slice %arg7[%dma_start3A_52] : memref<1000000xf32, #tpu.memory_space<hbm>> -> memref<1000000xf32, #tpu.memory_space<hbm>>
    tpu.enqueue_indirect_dma source(%dma_start3A_53 : memref<1000000xf32, #tpu.memory_space<hbm>>) target(%dma_start3A_48 : memref<128xf32, #tpu.memory_space<vmem>>) offsets(%dma_start3A_51 : memref<128xi32, #tpu.memory_space<vmem>>) semaphore(%arg20 : memref<!tpu.dma_semaphore, #tpu.memory_space<semaphore_mem>>)
    %dma_start3A_54 = arith.constant 1 : i32
    %dma_start3A_55 = arith.constant 1 : i32
    %dma_start3A_56 = arith.constant 0 : i32
    %dma_start3A_57 = tpu.memref_slice %arg17[%dma_start3A_55, %dma_start3A_56] : memref<4x128xf32, #tpu.memory_space<vmem>> -> memref<1x128xf32, #tpu.memory_space<vmem>>
    %dma_start3A_58 = tpu.memref_squeeze %dma_start3A_57 : memref<1x128xf32, #tpu.memory_space<vmem>> -> memref<128xf32, #tpu.memory_space<vmem>>
    %dma_start3A_59 = arith.constant 0 : i32
    %dma_start3A_60 = tpu.memref_slice %arg11[%dma_start3A_54, %dma_start3A_59] : memref<4x128xi32, #tpu.memory_space<vmem>> -> memref<1x128xi32, #tpu.memory_space<vmem>>
    %dma_start3A_61 = tpu.memref_squeeze %dma_start3A_60 : memref<1x128xi32, #tpu.memory_space<vmem>> -> memref<128xi32, #tpu.memory_space<vmem>>
    %dma_start3A_62 = arith.constant 0 : i32
    %dma_start3A_63 = tpu.memref_slice %arg8[%dma_start3A_62] : memref<1000000xf32, #tpu.memory_space<hbm>> -> memref<1000000xf32, #tpu.memory_space<hbm>>
    tpu.enqueue_indirect_dma source(%dma_start3A_63 : memref<1000000xf32, #tpu.memory_space<hbm>>) target(%dma_start3A_58 : memref<128xf32, #tpu.memory_space<vmem>>) offsets(%dma_start3A_61 : memref<128xi32, #tpu.memory_space<vmem>>) semaphore(%arg20 : memref<!tpu.dma_semaphore, #tpu.memory_space<semaphore_mem>>)
    %dma_start3A_64 = arith.constant 1 : i32
    %dma_start3A_65 = arith.constant 128 : i32
    %dma_start3A_66 = arith.constant 0 : i32
    %dma_start3A_67 = tpu.memref_slice %arg12[%dma_start3A_65, %dma_start3A_66] : memref<512x32xf32, #tpu.memory_space<vmem>> -> memref<128x32xf32, #tpu.memory_space<vmem>>
    %dma_start3A_68 = arith.constant 0 : i32
    %dma_start3A_69 = tpu.memref_slice %arg10[%dma_start3A_64, %dma_start3A_68] : memref<4x128xi32, #tpu.memory_space<vmem>> -> memref<1x128xi32, #tpu.memory_space<vmem>>
    %dma_start3A_70 = tpu.memref_squeeze %dma_start3A_69 : memref<1x128xi32, #tpu.memory_space<vmem>> -> memref<128xi32, #tpu.memory_space<vmem>>
    %dma_start3A_71 = arith.constant 0 : i32
    %dma_start3A_72 = arith.constant 0 : i32
    %dma_start3A_73 = tpu.memref_slice %arg4[%dma_start3A_71, %dma_start3A_72] : memref<1000000x32xf32, #tpu.memory_space<hbm>> -> memref<1000000x32xf32, #tpu.memory_space<hbm>>
    tpu.enqueue_indirect_dma source(%dma_start3A_73 : memref<1000000x32xf32, #tpu.memory_space<hbm>>) target(%dma_start3A_67 : memref<128x32xf32, #tpu.memory_space<vmem>>) offsets(%dma_start3A_70 : memref<128xi32, #tpu.memory_space<vmem>>) semaphore(%arg20 : memref<!tpu.dma_semaphore, #tpu.memory_space<semaphore_mem>>)
    %dma_start3A_74 = arith.constant 1 : i32
    %dma_start3A_75 = arith.constant 128 : i32
    %dma_start3A_76 = arith.constant 0 : i32
    %dma_start3A_77 = tpu.memref_slice %arg13[%dma_start3A_75, %dma_start3A_76] : memref<512x32xf32, #tpu.memory_space<vmem>> -> memref<128x32xf32, #tpu.memory_space<vmem>>
    %dma_start3A_78 = arith.constant 0 : i32
    %dma_start3A_79 = tpu.memref_slice %arg11[%dma_start3A_74, %dma_start3A_78] : memref<4x128xi32, #tpu.memory_space<vmem>> -> memref<1x128xi32, #tpu.memory_space<vmem>>
    %dma_start3A_80 = tpu.memref_squeeze %dma_start3A_79 : memref<1x128xi32, #tpu.memory_space<vmem>> -> memref<128xi32, #tpu.memory_space<vmem>>
    %dma_start3A_81 = arith.constant 0 : i32
    %dma_start3A_82 = arith.constant 0 : i32
    %dma_start3A_83 = tpu.memref_slice %arg6[%dma_start3A_81, %dma_start3A_82] : memref<1000000x32xf32, #tpu.memory_space<hbm>> -> memref<1000000x32xf32, #tpu.memory_space<hbm>>
    tpu.enqueue_indirect_dma source(%dma_start3A_83 : memref<1000000x32xf32, #tpu.memory_space<hbm>>) target(%dma_start3A_77 : memref<128x32xf32, #tpu.memory_space<vmem>>) offsets(%dma_start3A_80 : memref<128xi32, #tpu.memory_space<vmem>>) semaphore(%arg20 : memref<!tpu.dma_semaphore, #tpu.memory_space<semaphore_mem>>)
    %dma_start3A_84 = arith.constant 2 : i32
    %dma_start3A_85 = arith.constant 2 : i32
    %dma_start3A_86 = arith.constant 0 : i32
    %dma_start3A_87 = tpu.memref_slice %arg16[%dma_start3A_85, %dma_start3A_86] : memref<4x128xf32, #tpu.memory_space<vmem>> -> memref<1x128xf32, #tpu.memory_space<vmem>>
    %dma_start3A_88 = tpu.memref_squeeze %dma_start3A_87 : memref<1x128xf32, #tpu.memory_space<vmem>> -> memref<128xf32, #tpu.memory_space<vmem>>
    %dma_start3A_89 = arith.constant 0 : i32
    %dma_start3A_90 = tpu.memref_slice %arg10[%dma_start3A_84, %dma_start3A_89] : memref<4x128xi32, #tpu.memory_space<vmem>> -> memref<1x128xi32, #tpu.memory_space<vmem>>
    %dma_start3A_91 = tpu.memref_squeeze %dma_start3A_90 : memref<1x128xi32, #tpu.memory_space<vmem>> -> memref<128xi32, #tpu.memory_space<vmem>>
    %dma_start3A_92 = arith.constant 0 : i32
    %dma_start3A_93 = tpu.memref_slice %arg7[%dma_start3A_92] : memref<1000000xf32, #tpu.memory_space<hbm>> -> memref<1000000xf32, #tpu.memory_space<hbm>>
    tpu.enqueue_indirect_dma source(%dma_start3A_93 : memref<1000000xf32, #tpu.memory_space<hbm>>) target(%dma_start3A_88 : memref<128xf32, #tpu.memory_space<vmem>>) offsets(%dma_start3A_91 : memref<128xi32, #tpu.memory_space<vmem>>) semaphore(%arg20 : memref<!tpu.dma_semaphore, #tpu.memory_space<semaphore_mem>>)
    %dma_start3A_94 = arith.constant 2 : i32
    %dma_start3A_95 = arith.constant 2 : i32
    %dma_start3A_96 = arith.constant 0 : i32
    %dma_start3A_97 = tpu.memref_slice %arg17[%dma_start3A_95, %dma_start3A_96] : memref<4x128xf32, #tpu.memory_space<vmem>> -> memref<1x128xf32, #tpu.memory_space<vmem>>
    %dma_start3A_98 = tpu.memref_squeeze %dma_start3A_97 : memref<1x128xf32, #tpu.memory_space<vmem>> -> memref<128xf32, #tpu.memory_space<vmem>>
    %dma_start3A_99 = arith.constant 0 : i32
    %dma_start3A_100 = tpu.memref_slice %arg11[%dma_start3A_94, %dma_start3A_99] : memref<4x128xi32, #tpu.memory_space<vmem>> -> memref<1x128xi32, #tpu.memory_space<vmem>>
    %dma_start3A_101 = tpu.memref_squeeze %dma_start3A_100 : memref<1x128xi32, #tpu.memory_space<vmem>> -> memref<128xi32, #tpu.memory_space<vmem>>
    %dma_start3A_102 = arith.constant 0 : i32
    %dma_start3A_103 = tpu.memref_slice %arg8[%dma_start3A_102] : memref<1000000xf32, #tpu.memory_space<hbm>> -> memref<1000000xf32, #tpu.memory_space<hbm>>
    tpu.enqueue_indirect_dma source(%dma_start3A_103 : memref<1000000xf32, #tpu.memory_space<hbm>>) target(%dma_start3A_98 : memref<128xf32, #tpu.memory_space<vmem>>) offsets(%dma_start3A_101 : memref<128xi32, #tpu.memory_space<vmem>>) semaphore(%arg20 : memref<!tpu.dma_semaphore, #tpu.memory_space<semaphore_mem>>)
    %dma_start3A_104 = arith.constant 2 : i32
    %dma_start3A_105 = arith.constant 256 : i32
    %dma_start3A_106 = arith.constant 0 : i32
    %dma_start3A_107 = tpu.memref_slice %arg12[%dma_start3A_105, %dma_start3A_106] : memref<512x32xf32, #tpu.memory_space<vmem>> -> memref<128x32xf32, #tpu.memory_space<vmem>>
    %dma_start3A_108 = arith.constant 0 : i32
    %dma_start3A_109 = tpu.memref_slice %arg10[%dma_start3A_104, %dma_start3A_108] : memref<4x128xi32, #tpu.memory_space<vmem>> -> memref<1x128xi32, #tpu.memory_space<vmem>>
    %dma_start3A_110 = tpu.memref_squeeze %dma_start3A_109 : memref<1x128xi32, #tpu.memory_space<vmem>> -> memref<128xi32, #tpu.memory_space<vmem>>
    %dma_start3A_111 = arith.constant 0 : i32
    %dma_start3A_112 = arith.constant 0 : i32
    %dma_start3A_113 = tpu.memref_slice %arg4[%dma_start3A_111, %dma_start3A_112] : memref<1000000x32xf32, #tpu.memory_space<hbm>> -> memref<1000000x32xf32, #tpu.memory_space<hbm>>
    tpu.enqueue_indirect_dma source(%dma_start3A_113 : memref<1000000x32xf32, #tpu.memory_space<hbm>>) target(%dma_start3A_107 : memref<128x32xf32, #tpu.memory_space<vmem>>) offsets(%dma_start3A_110 : memref<128xi32, #tpu.memory_space<vmem>>) semaphore(%arg20 : memref<!tpu.dma_semaphore, #tpu.memory_space<semaphore_mem>>)
    %dma_start3A_114 = arith.constant 2 : i32
    %dma_start3A_115 = arith.constant 256 : i32
    %dma_start3A_116 = arith.constant 0 : i32
    %dma_start3A_117 = tpu.memref_slice %arg13[%dma_start3A_115, %dma_start3A_116] : memref<512x32xf32, #tpu.memory_space<vmem>> -> memref<128x32xf32, #tpu.memory_space<vmem>>
    %dma_start3A_118 = arith.constant 0 : i32
    %dma_start3A_119 = tpu.memref_slice %arg11[%dma_start3A_114, %dma_start3A_118] : memref<4x128xi32, #tpu.memory_space<vmem>> -> memref<1x128xi32, #tpu.memory_space<vmem>>
    %dma_start3A_120 = tpu.memref_squeeze %dma_start3A_119 : memref<1x128xi32, #tpu.memory_space<vmem>> -> memref<128xi32, #tpu.memory_space<vmem>>
    %dma_start3A_121 = arith.constant 0 : i32
    %dma_start3A_122 = arith.constant 0 : i32
    %dma_start3A_123 = tpu.memref_slice %arg6[%dma_start3A_121, %dma_start3A_122] : memref<1000000x32xf32, #tpu.memory_space<hbm>> -> memref<1000000x32xf32, #tpu.memory_space<hbm>>
    tpu.enqueue_indirect_dma source(%dma_start3A_123 : memref<1000000x32xf32, #tpu.memory_space<hbm>>) target(%dma_start3A_117 : memref<128x32xf32, #tpu.memory_space<vmem>>) offsets(%dma_start3A_120 : memref<128xi32, #tpu.memory_space<vmem>>) semaphore(%arg20 : memref<!tpu.dma_semaphore, #tpu.memory_space<semaphore_mem>>)
    %dma_start3A_124 = arith.constant 3 : i32
    %dma_start3A_125 = arith.constant 3 : i32
    %dma_start3A_126 = arith.constant 0 : i32
    %dma_start3A_127 = tpu.memref_slice %arg16[%dma_start3A_125, %dma_start3A_126] : memref<4x128xf32, #tpu.memory_space<vmem>> -> memref<1x128xf32, #tpu.memory_space<vmem>>
    %dma_start3A_128 = tpu.memref_squeeze %dma_start3A_127 : memref<1x128xf32, #tpu.memory_space<vmem>> -> memref<128xf32, #tpu.memory_space<vmem>>
    %dma_start3A_129 = arith.constant 0 : i32
    %dma_start3A_130 = tpu.memref_slice %arg10[%dma_start3A_124, %dma_start3A_129] : memref<4x128xi32, #tpu.memory_space<vmem>> -> memref<1x128xi32, #tpu.memory_space<vmem>>
    %dma_start3A_131 = tpu.memref_squeeze %dma_start3A_130 : memref<1x128xi32, #tpu.memory_space<vmem>> -> memref<128xi32, #tpu.memory_space<vmem>>
    %dma_start3A_132 = arith.constant 0 : i32
    %dma_start3A_133 = tpu.memref_slice %arg7[%dma_start3A_132] : memref<1000000xf32, #tpu.memory_space<hbm>> -> memref<1000000xf32, #tpu.memory_space<hbm>>
    tpu.enqueue_indirect_dma source(%dma_start3A_133 : memref<1000000xf32, #tpu.memory_space<hbm>>) target(%dma_start3A_128 : memref<128xf32, #tpu.memory_space<vmem>>) offsets(%dma_start3A_131 : memref<128xi32, #tpu.memory_space<vmem>>) semaphore(%arg20 : memref<!tpu.dma_semaphore, #tpu.memory_space<semaphore_mem>>)
    %dma_start3A_134 = arith.constant 3 : i32
    %dma_start3A_135 = arith.constant 3 : i32
    %dma_start3A_136 = arith.constant 0 : i32
    %dma_start3A_137 = tpu.memref_slice %arg17[%dma_start3A_135, %dma_start3A_136] : memref<4x128xf32, #tpu.memory_space<vmem>> -> memref<1x128xf32, #tpu.memory_space<vmem>>
    %dma_start3A_138 = tpu.memref_squeeze %dma_start3A_137 : memref<1x128xf32, #tpu.memory_space<vmem>> -> memref<128xf32, #tpu.memory_space<vmem>>
    %dma_start3A_139 = arith.constant 0 : i32
    %dma_start3A_140 = tpu.memref_slice %arg11[%dma_start3A_134, %dma_start3A_139] : memref<4x128xi32, #tpu.memory_space<vmem>> -> memref<1x128xi32, #tpu.memory_space<vmem>>
    %dma_start3A_141 = tpu.memref_squeeze %dma_start3A_140 : memref<1x128xi32, #tpu.memory_space<vmem>> -> memref<128xi32, #tpu.memory_space<vmem>>
    %dma_start3A_142 = arith.constant 0 : i32
    %dma_start3A_143 = tpu.memref_slice %arg8[%dma_start3A_142] : memref<1000000xf32, #tpu.memory_space<hbm>> -> memref<1000000xf32, #tpu.memory_space<hbm>>
    tpu.enqueue_indirect_dma source(%dma_start3A_143 : memref<1000000xf32, #tpu.memory_space<hbm>>) target(%dma_start3A_138 : memref<128xf32, #tpu.memory_space<vmem>>) offsets(%dma_start3A_141 : memref<128xi32, #tpu.memory_space<vmem>>) semaphore(%arg20 : memref<!tpu.dma_semaphore, #tpu.memory_space<semaphore_mem>>)
    %dma_start3A_144 = arith.constant 3 : i32
    %dma_start3A_145 = arith.constant 384 : i32
    %dma_start3A_146 = arith.constant 0 : i32
    %dma_start3A_147 = tpu.memref_slice %arg12[%dma_start3A_145, %dma_start3A_146] : memref<512x32xf32, #tpu.memory_space<vmem>> -> memref<128x32xf32, #tpu.memory_space<vmem>>
    %dma_start3A_148 = arith.constant 0 : i32
    %dma_start3A_149 = tpu.memref_slice %arg10[%dma_start3A_144, %dma_start3A_148] : memref<4x128xi32, #tpu.memory_space<vmem>> -> memref<1x128xi32, #tpu.memory_space<vmem>>
    %dma_start3A_150 = tpu.memref_squeeze %dma_start3A_149 : memref<1x128xi32, #tpu.memory_space<vmem>> -> memref<128xi32, #tpu.memory_space<vmem>>
    %dma_start3A_151 = arith.constant 0 : i32
    %dma_start3A_152 = arith.constant 0 : i32
    %dma_start3A_153 = tpu.memref_slice %arg4[%dma_start3A_151, %dma_start3A_152] : memref<1000000x32xf32, #tpu.memory_space<hbm>> -> memref<1000000x32xf32, #tpu.memory_space<hbm>>
    tpu.enqueue_indirect_dma source(%dma_start3A_153 : memref<1000000x32xf32, #tpu.memory_space<hbm>>) target(%dma_start3A_147 : memref<128x32xf32, #tpu.memory_space<vmem>>) offsets(%dma_start3A_150 : memref<128xi32, #tpu.memory_space<vmem>>) semaphore(%arg20 : memref<!tpu.dma_semaphore, #tpu.memory_space<semaphore_mem>>)
    %dma_start3A_154 = arith.constant 3 : i32
    %dma_start3A_155 = arith.constant 384 : i32
    %dma_start3A_156 = arith.constant 0 : i32
    %dma_start3A_157 = tpu.memref_slice %arg13[%dma_start3A_155, %dma_start3A_156] : memref<512x32xf32, #tpu.memory_space<vmem>> -> memref<128x32xf32, #tpu.memory_space<vmem>>
    %dma_start3A_158 = arith.constant 0 : i32
    %dma_start3A_159 = tpu.memref_slice %arg11[%dma_start3A_154, %dma_start3A_158] : memref<4x128xi32, #tpu.memory_space<vmem>> -> memref<1x128xi32, #tpu.memory_space<vmem>>
    %dma_start3A_160 = tpu.memref_squeeze %dma_start3A_159 : memref<1x128xi32, #tpu.memory_space<vmem>> -> memref<128xi32, #tpu.memory_space<vmem>>
    %dma_start3A_161 = arith.constant 0 : i32
    %dma_start3A_162 = arith.constant 0 : i32
    %dma_start3A_163 = tpu.memref_slice %arg6[%dma_start3A_161, %dma_start3A_162] : memref<1000000x32xf32, #tpu.memory_space<hbm>> -> memref<1000000x32xf32, #tpu.memory_space<hbm>>
    tpu.enqueue_indirect_dma source(%dma_start3A_163 : memref<1000000x32xf32, #tpu.memory_space<hbm>>) target(%dma_start3A_157 : memref<128x32xf32, #tpu.memory_space<vmem>>) offsets(%dma_start3A_160 : memref<128xi32, #tpu.memory_space<vmem>>) semaphore(%arg20 : memref<!tpu.dma_semaphore, #tpu.memory_space<semaphore_mem>>)
    %dma_wait3A = arith.constant 0 : i32
    %dma_wait3A_164 = arith.constant 0 : i32
    %dma_wait3A_165 = arith.constant 0 : i32
    %dma_wait3A_166 = tpu.memref_slice %arg16[%dma_wait3A_164, %dma_wait3A_165] : memref<4x128xf32, #tpu.memory_space<vmem>> -> memref<1x128xf32, #tpu.memory_space<vmem>>
    %dma_wait3A_167 = tpu.memref_squeeze %dma_wait3A_166 : memref<1x128xf32, #tpu.memory_space<vmem>> -> memref<128xf32, #tpu.memory_space<vmem>>
    %dma_wait3A_168 = arith.constant 0 : i32
    %dma_wait3A_169 = tpu.memref_slice %arg10[%dma_wait3A, %dma_wait3A_168] : memref<4x128xi32, #tpu.memory_space<vmem>> -> memref<1x128xi32, #tpu.memory_space<vmem>>
    %dma_wait3A_170 = tpu.memref_squeeze %dma_wait3A_169 : memref<1x128xi32, #tpu.memory_space<vmem>> -> memref<128xi32, #tpu.memory_space<vmem>>
    %dma_wait3A_171 = arith.constant 0 : i32
    %dma_wait3A_172 = tpu.memref_slice %arg7[%dma_wait3A_171] : memref<1000000xf32, #tpu.memory_space<hbm>> -> memref<1000000xf32, #tpu.memory_space<hbm>>
    tpu.wait_indirect_dma semaphore(%arg20 : memref<!tpu.dma_semaphore, #tpu.memory_space<semaphore_mem>>) src(%dma_wait3A_172 : memref<1000000xf32, #tpu.memory_space<hbm>>) dst(%dma_wait3A_167 : memref<128xf32, #tpu.memory_space<vmem>>)
    %dma_wait3A_173 = arith.constant 0 : i32
    %dma_wait3A_174 = arith.constant 0 : i32
    %dma_wait3A_175 = arith.constant 0 : i32
    %dma_wait3A_176 = tpu.memref_slice %arg17[%dma_wait3A_174, %dma_wait3A_175] : memref<4x128xf32, #tpu.memory_space<vmem>> -> memref<1x128xf32, #tpu.memory_space<vmem>>
    %dma_wait3A_177 = tpu.memref_squeeze %dma_wait3A_176 : memref<1x128xf32, #tpu.memory_space<vmem>> -> memref<128xf32, #tpu.memory_space<vmem>>
    %dma_wait3A_178 = arith.constant 0 : i32
    %dma_wait3A_179 = tpu.memref_slice %arg11[%dma_wait3A_173, %dma_wait3A_178] : memref<4x128xi32, #tpu.memory_space<vmem>> -> memref<1x128xi32, #tpu.memory_space<vmem>>
    %dma_wait3A_180 = tpu.memref_squeeze %dma_wait3A_179 : memref<1x128xi32, #tpu.memory_space<vmem>> -> memref<128xi32, #tpu.memory_space<vmem>>
    %dma_wait3A_181 = arith.constant 0 : i32
    %dma_wait3A_182 = tpu.memref_slice %arg8[%dma_wait3A_181] : memref<1000000xf32, #tpu.memory_space<hbm>> -> memref<1000000xf32, #tpu.memory_space<hbm>>
    tpu.wait_indirect_dma semaphore(%arg20 : memref<!tpu.dma_semaphore, #tpu.memory_space<semaphore_mem>>) src(%dma_wait3A_182 : memref<1000000xf32, #tpu.memory_space<hbm>>) dst(%dma_wait3A_177 : memref<128xf32, #tpu.memory_space<vmem>>)
    %dma_wait3A_183 = arith.constant 0 : i32
    %dma_wait3A_184 = arith.constant 0 : i32
    %dma_wait3A_185 = arith.constant 0 : i32
    %dma_wait3A_186 = tpu.memref_slice %arg12[%dma_wait3A_184, %dma_wait3A_185] : memref<512x32xf32, #tpu.memory_space<vmem>> -> memref<128x32xf32, #tpu.memory_space<vmem>>
    %dma_wait3A_187 = arith.constant 0 : i32
    %dma_wait3A_188 = tpu.memref_slice %arg10[%dma_wait3A_183, %dma_wait3A_187] : memref<4x128xi32, #tpu.memory_space<vmem>> -> memref<1x128xi32, #tpu.memory_space<vmem>>
    %dma_wait3A_189 = tpu.memref_squeeze %dma_wait3A_188 : memref<1x128xi32, #tpu.memory_space<vmem>> -> memref<128xi32, #tpu.memory_space<vmem>>
    %dma_wait3A_190 = arith.constant 0 : i32
    %dma_wait3A_191 = arith.constant 0 : i32
    %dma_wait3A_192 = tpu.memref_slice %arg4[%dma_wait3A_190, %dma_wait3A_191] : memref<1000000x32xf32, #tpu.memory_space<hbm>> -> memref<1000000x32xf32, #tpu.memory_space<hbm>>
    tpu.wait_indirect_dma semaphore(%arg20 : memref<!tpu.dma_semaphore, #tpu.memory_space<semaphore_mem>>) src(%dma_wait3A_192 : memref<1000000x32xf32, #tpu.memory_space<hbm>>) dst(%dma_wait3A_186 : memref<128x32xf32, #tpu.memory_space<vmem>>)
    %dma_wait3A_193 = arith.constant 0 : i32
    %dma_wait3A_194 = arith.constant 0 : i32
    %dma_wait3A_195 = arith.constant 0 : i32
    %dma_wait3A_196 = tpu.memref_slice %arg13[%dma_wait3A_194, %dma_wait3A_195] : memref<512x32xf32, #tpu.memory_space<vmem>> -> memref<128x32xf32, #tpu.memory_space<vmem>>
    %dma_wait3A_197 = arith.constant 0 : i32
    %dma_wait3A_198 = tpu.memref_slice %arg11[%dma_wait3A_193, %dma_wait3A_197] : memref<4x128xi32, #tpu.memory_space<vmem>> -> memref<1x128xi32, #tpu.memory_space<vmem>>
    %dma_wait3A_199 = tpu.memref_squeeze %dma_wait3A_198 : memref<1x128xi32, #tpu.memory_space<vmem>> -> memref<128xi32, #tpu.memory_space<vmem>>
    %dma_wait3A_200 = arith.constant 0 : i32
    %dma_wait3A_201 = arith.constant 0 : i32
    %dma_wait3A_202 = tpu.memref_slice %arg6[%dma_wait3A_200, %dma_wait3A_201] : memref<1000000x32xf32, #tpu.memory_space<hbm>> -> memref<1000000x32xf32, #tpu.memory_space<hbm>>
    tpu.wait_indirect_dma semaphore(%arg20 : memref<!tpu.dma_semaphore, #tpu.memory_space<semaphore_mem>>) src(%dma_wait3A_202 : memref<1000000x32xf32, #tpu.memory_space<hbm>>) dst(%dma_wait3A_196 : memref<128x32xf32, #tpu.memory_space<vmem>>)
    %dma_wait3A_203 = arith.constant 1 : i32
    %dma_wait3A_204 = arith.constant 1 : i32
    %dma_wait3A_205 = arith.constant 0 : i32
    %dma_wait3A_206 = tpu.memref_slice %arg16[%dma_wait3A_204, %dma_wait3A_205] : memref<4x128xf32, #tpu.memory_space<vmem>> -> memref<1x128xf32, #tpu.memory_space<vmem>>
    %dma_wait3A_207 = tpu.memref_squeeze %dma_wait3A_206 : memref<1x128xf32, #tpu.memory_space<vmem>> -> memref<128xf32, #tpu.memory_space<vmem>>
    %dma_wait3A_208 = arith.constant 0 : i32
    %dma_wait3A_209 = tpu.memref_slice %arg10[%dma_wait3A_203, %dma_wait3A_208] : memref<4x128xi32, #tpu.memory_space<vmem>> -> memref<1x128xi32, #tpu.memory_space<vmem>>
    %dma_wait3A_210 = tpu.memref_squeeze %dma_wait3A_209 : memref<1x128xi32, #tpu.memory_space<vmem>> -> memref<128xi32, #tpu.memory_space<vmem>>
    %dma_wait3A_211 = arith.constant 0 : i32
    %dma_wait3A_212 = tpu.memref_slice %arg7[%dma_wait3A_211] : memref<1000000xf32, #tpu.memory_space<hbm>> -> memref<1000000xf32, #tpu.memory_space<hbm>>
    tpu.wait_indirect_dma semaphore(%arg20 : memref<!tpu.dma_semaphore, #tpu.memory_space<semaphore_mem>>) src(%dma_wait3A_212 : memref<1000000xf32, #tpu.memory_space<hbm>>) dst(%dma_wait3A_207 : memref<128xf32, #tpu.memory_space<vmem>>)
    %dma_wait3A_213 = arith.constant 1 : i32
    %dma_wait3A_214 = arith.constant 1 : i32
    %dma_wait3A_215 = arith.constant 0 : i32
    %dma_wait3A_216 = tpu.memref_slice %arg17[%dma_wait3A_214, %dma_wait3A_215] : memref<4x128xf32, #tpu.memory_space<vmem>> -> memref<1x128xf32, #tpu.memory_space<vmem>>
    %dma_wait3A_217 = tpu.memref_squeeze %dma_wait3A_216 : memref<1x128xf32, #tpu.memory_space<vmem>> -> memref<128xf32, #tpu.memory_space<vmem>>
    %dma_wait3A_218 = arith.constant 0 : i32
    %dma_wait3A_219 = tpu.memref_slice %arg11[%dma_wait3A_213, %dma_wait3A_218] : memref<4x128xi32, #tpu.memory_space<vmem>> -> memref<1x128xi32, #tpu.memory_space<vmem>>
    %dma_wait3A_220 = tpu.memref_squeeze %dma_wait3A_219 : memref<1x128xi32, #tpu.memory_space<vmem>> -> memref<128xi32, #tpu.memory_space<vmem>>
    %dma_wait3A_221 = arith.constant 0 : i32
    %dma_wait3A_222 = tpu.memref_slice %arg8[%dma_wait3A_221] : memref<1000000xf32, #tpu.memory_space<hbm>> -> memref<1000000xf32, #tpu.memory_space<hbm>>
    tpu.wait_indirect_dma semaphore(%arg20 : memref<!tpu.dma_semaphore, #tpu.memory_space<semaphore_mem>>) src(%dma_wait3A_222 : memref<1000000xf32, #tpu.memory_space<hbm>>) dst(%dma_wait3A_217 : memref<128xf32, #tpu.memory_space<vmem>>)
    %dma_wait3A_223 = arith.constant 1 : i32
    %dma_wait3A_224 = arith.constant 128 : i32
    %dma_wait3A_225 = arith.constant 0 : i32
    %dma_wait3A_226 = tpu.memref_slice %arg12[%dma_wait3A_224, %dma_wait3A_225] : memref<512x32xf32, #tpu.memory_space<vmem>> -> memref<128x32xf32, #tpu.memory_space<vmem>>
    %dma_wait3A_227 = arith.constant 0 : i32
    %dma_wait3A_228 = tpu.memref_slice %arg10[%dma_wait3A_223, %dma_wait3A_227] : memref<4x128xi32, #tpu.memory_space<vmem>> -> memref<1x128xi32, #tpu.memory_space<vmem>>
    %dma_wait3A_229 = tpu.memref_squeeze %dma_wait3A_228 : memref<1x128xi32, #tpu.memory_space<vmem>> -> memref<128xi32, #tpu.memory_space<vmem>>
    %dma_wait3A_230 = arith.constant 0 : i32
    %dma_wait3A_231 = arith.constant 0 : i32
    %dma_wait3A_232 = tpu.memref_slice %arg4[%dma_wait3A_230, %dma_wait3A_231] : memref<1000000x32xf32, #tpu.memory_space<hbm>> -> memref<1000000x32xf32, #tpu.memory_space<hbm>>
    tpu.wait_indirect_dma semaphore(%arg20 : memref<!tpu.dma_semaphore, #tpu.memory_space<semaphore_mem>>) src(%dma_wait3A_232 : memref<1000000x32xf32, #tpu.memory_space<hbm>>) dst(%dma_wait3A_226 : memref<128x32xf32, #tpu.memory_space<vmem>>)
    %dma_wait3A_233 = arith.constant 1 : i32
    %dma_wait3A_234 = arith.constant 128 : i32
    %dma_wait3A_235 = arith.constant 0 : i32
    %dma_wait3A_236 = tpu.memref_slice %arg13[%dma_wait3A_234, %dma_wait3A_235] : memref<512x32xf32, #tpu.memory_space<vmem>> -> memref<128x32xf32, #tpu.memory_space<vmem>>
    %dma_wait3A_237 = arith.constant 0 : i32
    %dma_wait3A_238 = tpu.memref_slice %arg11[%dma_wait3A_233, %dma_wait3A_237] : memref<4x128xi32, #tpu.memory_space<vmem>> -> memref<1x128xi32, #tpu.memory_space<vmem>>
    %dma_wait3A_239 = tpu.memref_squeeze %dma_wait3A_238 : memref<1x128xi32, #tpu.memory_space<vmem>> -> memref<128xi32, #tpu.memory_space<vmem>>
    %dma_wait3A_240 = arith.constant 0 : i32
    %dma_wait3A_241 = arith.constant 0 : i32
    %dma_wait3A_242 = tpu.memref_slice %arg6[%dma_wait3A_240, %dma_wait3A_241] : memref<1000000x32xf32, #tpu.memory_space<hbm>> -> memref<1000000x32xf32, #tpu.memory_space<hbm>>
    tpu.wait_indirect_dma semaphore(%arg20 : memref<!tpu.dma_semaphore, #tpu.memory_space<semaphore_mem>>) src(%dma_wait3A_242 : memref<1000000x32xf32, #tpu.memory_space<hbm>>) dst(%dma_wait3A_236 : memref<128x32xf32, #tpu.memory_space<vmem>>)
    %dma_wait3A_243 = arith.constant 2 : i32
    %dma_wait3A_244 = arith.constant 2 : i32
    %dma_wait3A_245 = arith.constant 0 : i32
    %dma_wait3A_246 = tpu.memref_slice %arg16[%dma_wait3A_244, %dma_wait3A_245] : memref<4x128xf32, #tpu.memory_space<vmem>> -> memref<1x128xf32, #tpu.memory_space<vmem>>
    %dma_wait3A_247 = tpu.memref_squeeze %dma_wait3A_246 : memref<1x128xf32, #tpu.memory_space<vmem>> -> memref<128xf32, #tpu.memory_space<vmem>>
    %dma_wait3A_248 = arith.constant 0 : i32
    %dma_wait3A_249 = tpu.memref_slice %arg10[%dma_wait3A_243, %dma_wait3A_248] : memref<4x128xi32, #tpu.memory_space<vmem>> -> memref<1x128xi32, #tpu.memory_space<vmem>>
    %dma_wait3A_250 = tpu.memref_squeeze %dma_wait3A_249 : memref<1x128xi32, #tpu.memory_space<vmem>> -> memref<128xi32, #tpu.memory_space<vmem>>
    %dma_wait3A_251 = arith.constant 0 : i32
    %dma_wait3A_252 = tpu.memref_slice %arg7[%dma_wait3A_251] : memref<1000000xf32, #tpu.memory_space<hbm>> -> memref<1000000xf32, #tpu.memory_space<hbm>>
    tpu.wait_indirect_dma semaphore(%arg20 : memref<!tpu.dma_semaphore, #tpu.memory_space<semaphore_mem>>) src(%dma_wait3A_252 : memref<1000000xf32, #tpu.memory_space<hbm>>) dst(%dma_wait3A_247 : memref<128xf32, #tpu.memory_space<vmem>>)
    %dma_wait3A_253 = arith.constant 2 : i32
    %dma_wait3A_254 = arith.constant 2 : i32
    %dma_wait3A_255 = arith.constant 0 : i32
    %dma_wait3A_256 = tpu.memref_slice %arg17[%dma_wait3A_254, %dma_wait3A_255] : memref<4x128xf32, #tpu.memory_space<vmem>> -> memref<1x128xf32, #tpu.memory_space<vmem>>
    %dma_wait3A_257 = tpu.memref_squeeze %dma_wait3A_256 : memref<1x128xf32, #tpu.memory_space<vmem>> -> memref<128xf32, #tpu.memory_space<vmem>>
    %dma_wait3A_258 = arith.constant 0 : i32
    %dma_wait3A_259 = tpu.memref_slice %arg11[%dma_wait3A_253, %dma_wait3A_258] : memref<4x128xi32, #tpu.memory_space<vmem>> -> memref<1x128xi32, #tpu.memory_space<vmem>>
    %dma_wait3A_260 = tpu.memref_squeeze %dma_wait3A_259 : memref<1x128xi32, #tpu.memory_space<vmem>> -> memref<128xi32, #tpu.memory_space<vmem>>
    %dma_wait3A_261 = arith.constant 0 : i32
    %dma_wait3A_262 = tpu.memref_slice %arg8[%dma_wait3A_261] : memref<1000000xf32, #tpu.memory_space<hbm>> -> memref<1000000xf32, #tpu.memory_space<hbm>>
    tpu.wait_indirect_dma semaphore(%arg20 : memref<!tpu.dma_semaphore, #tpu.memory_space<semaphore_mem>>) src(%dma_wait3A_262 : memref<1000000xf32, #tpu.memory_space<hbm>>) dst(%dma_wait3A_257 : memref<128xf32, #tpu.memory_space<vmem>>)
    %dma_wait3A_263 = arith.constant 2 : i32
    %dma_wait3A_264 = arith.constant 256 : i32
    %dma_wait3A_265 = arith.constant 0 : i32
    %dma_wait3A_266 = tpu.memref_slice %arg12[%dma_wait3A_264, %dma_wait3A_265] : memref<512x32xf32, #tpu.memory_space<vmem>> -> memref<128x32xf32, #tpu.memory_space<vmem>>
    %dma_wait3A_267 = arith.constant 0 : i32
    %dma_wait3A_268 = tpu.memref_slice %arg10[%dma_wait3A_263, %dma_wait3A_267] : memref<4x128xi32, #tpu.memory_space<vmem>> -> memref<1x128xi32, #tpu.memory_space<vmem>>
    %dma_wait3A_269 = tpu.memref_squeeze %dma_wait3A_268 : memref<1x128xi32, #tpu.memory_space<vmem>> -> memref<128xi32, #tpu.memory_space<vmem>>
    %dma_wait3A_270 = arith.constant 0 : i32
    %dma_wait3A_271 = arith.constant 0 : i32
    %dma_wait3A_272 = tpu.memref_slice %arg4[%dma_wait3A_270, %dma_wait3A_271] : memref<1000000x32xf32, #tpu.memory_space<hbm>> -> memref<1000000x32xf32, #tpu.memory_space<hbm>>
    tpu.wait_indirect_dma semaphore(%arg20 : memref<!tpu.dma_semaphore, #tpu.memory_space<semaphore_mem>>) src(%dma_wait3A_272 : memref<1000000x32xf32, #tpu.memory_space<hbm>>) dst(%dma_wait3A_266 : memref<128x32xf32, #tpu.memory_space<vmem>>)
    %dma_wait3A_273 = arith.constant 2 : i32
    %dma_wait3A_274 = arith.constant 256 : i32
    %dma_wait3A_275 = arith.constant 0 : i32
    %dma_wait3A_276 = tpu.memref_slice %arg13[%dma_wait3A_274, %dma_wait3A_275] : memref<512x32xf32, #tpu.memory_space<vmem>> -> memref<128x32xf32, #tpu.memory_space<vmem>>
    %dma_wait3A_277 = arith.constant 0 : i32
    %dma_wait3A_278 = tpu.memref_slice %arg11[%dma_wait3A_273, %dma_wait3A_277] : memref<4x128xi32, #tpu.memory_space<vmem>> -> memref<1x128xi32, #tpu.memory_space<vmem>>
    %dma_wait3A_279 = tpu.memref_squeeze %dma_wait3A_278 : memref<1x128xi32, #tpu.memory_space<vmem>> -> memref<128xi32, #tpu.memory_space<vmem>>
    %dma_wait3A_280 = arith.constant 0 : i32
    %dma_wait3A_281 = arith.constant 0 : i32
    %dma_wait3A_282 = tpu.memref_slice %arg6[%dma_wait3A_280, %dma_wait3A_281] : memref<1000000x32xf32, #tpu.memory_space<hbm>> -> memref<1000000x32xf32, #tpu.memory_space<hbm>>
    tpu.wait_indirect_dma semaphore(%arg20 : memref<!tpu.dma_semaphore, #tpu.memory_space<semaphore_mem>>) src(%dma_wait3A_282 : memref<1000000x32xf32, #tpu.memory_space<hbm>>) dst(%dma_wait3A_276 : memref<128x32xf32, #tpu.memory_space<vmem>>)
    %dma_wait3A_283 = arith.constant 3 : i32
    %dma_wait3A_284 = arith.constant 3 : i32
    %dma_wait3A_285 = arith.constant 0 : i32
    %dma_wait3A_286 = tpu.memref_slice %arg16[%dma_wait3A_284, %dma_wait3A_285] : memref<4x128xf32, #tpu.memory_space<vmem>> -> memref<1x128xf32, #tpu.memory_space<vmem>>
    %dma_wait3A_287 = tpu.memref_squeeze %dma_wait3A_286 : memref<1x128xf32, #tpu.memory_space<vmem>> -> memref<128xf32, #tpu.memory_space<vmem>>
    %dma_wait3A_288 = arith.constant 0 : i32
    %dma_wait3A_289 = tpu.memref_slice %arg10[%dma_wait3A_283, %dma_wait3A_288] : memref<4x128xi32, #tpu.memory_space<vmem>> -> memref<1x128xi32, #tpu.memory_space<vmem>>
    %dma_wait3A_290 = tpu.memref_squeeze %dma_wait3A_289 : memref<1x128xi32, #tpu.memory_space<vmem>> -> memref<128xi32, #tpu.memory_space<vmem>>
    %dma_wait3A_291 = arith.constant 0 : i32
    %dma_wait3A_292 = tpu.memref_slice %arg7[%dma_wait3A_291] : memref<1000000xf32, #tpu.memory_space<hbm>> -> memref<1000000xf32, #tpu.memory_space<hbm>>
    tpu.wait_indirect_dma semaphore(%arg20 : memref<!tpu.dma_semaphore, #tpu.memory_space<semaphore_mem>>) src(%dma_wait3A_292 : memref<1000000xf32, #tpu.memory_space<hbm>>) dst(%dma_wait3A_287 : memref<128xf32, #tpu.memory_space<vmem>>)
    %dma_wait3A_293 = arith.constant 3 : i32
    %dma_wait3A_294 = arith.constant 3 : i32
    %dma_wait3A_295 = arith.constant 0 : i32
    %dma_wait3A_296 = tpu.memref_slice %arg17[%dma_wait3A_294, %dma_wait3A_295] : memref<4x128xf32, #tpu.memory_space<vmem>> -> memref<1x128xf32, #tpu.memory_space<vmem>>
    %dma_wait3A_297 = tpu.memref_squeeze %dma_wait3A_296 : memref<1x128xf32, #tpu.memory_space<vmem>> -> memref<128xf32, #tpu.memory_space<vmem>>
    %dma_wait3A_298 = arith.constant 0 : i32
    %dma_wait3A_299 = tpu.memref_slice %arg11[%dma_wait3A_293, %dma_wait3A_298] : memref<4x128xi32, #tpu.memory_space<vmem>> -> memref<1x128xi32, #tpu.memory_space<vmem>>
    %dma_wait3A_300 = tpu.memref_squeeze %dma_wait3A_299 : memref<1x128xi32, #tpu.memory_space<vmem>> -> memref<128xi32, #tpu.memory_space<vmem>>
    %dma_wait3A_301 = arith.constant 0 : i32
    %dma_wait3A_302 = tpu.memref_slice %arg8[%dma_wait3A_301] : memref<1000000xf32, #tpu.memory_space<hbm>> -> memref<1000000xf32, #tpu.memory_space<hbm>>
    tpu.wait_indirect_dma semaphore(%arg20 : memref<!tpu.dma_semaphore, #tpu.memory_space<semaphore_mem>>) src(%dma_wait3A_302 : memref<1000000xf32, #tpu.memory_space<hbm>>) dst(%dma_wait3A_297 : memref<128xf32, #tpu.memory_space<vmem>>)
    %dma_wait3A_303 = arith.constant 3 : i32
    %dma_wait3A_304 = arith.constant 384 : i32
    %dma_wait3A_305 = arith.constant 0 : i32
    %dma_wait3A_306 = tpu.memref_slice %arg12[%dma_wait3A_304, %dma_wait3A_305] : memref<512x32xf32, #tpu.memory_space<vmem>> -> memref<128x32xf32, #tpu.memory_space<vmem>>
    %dma_wait3A_307 = arith.constant 0 : i32
    %dma_wait3A_308 = tpu.memref_slice %arg10[%dma_wait3A_303, %dma_wait3A_307] : memref<4x128xi32, #tpu.memory_space<vmem>> -> memref<1x128xi32, #tpu.memory_space<vmem>>
    %dma_wait3A_309 = tpu.memref_squeeze %dma_wait3A_308 : memref<1x128xi32, #tpu.memory_space<vmem>> -> memref<128xi32, #tpu.memory_space<vmem>>
    %dma_wait3A_310 = arith.constant 0 : i32
    %dma_wait3A_311 = arith.constant 0 : i32
    %dma_wait3A_312 = tpu.memref_slice %arg4[%dma_wait3A_310, %dma_wait3A_311] : memref<1000000x32xf32, #tpu.memory_space<hbm>> -> memref<1000000x32xf32, #tpu.memory_space<hbm>>
    tpu.wait_indirect_dma semaphore(%arg20 : memref<!tpu.dma_semaphore, #tpu.memory_space<semaphore_mem>>) src(%dma_wait3A_312 : memref<1000000x32xf32, #tpu.memory_space<hbm>>) dst(%dma_wait3A_306 : memref<128x32xf32, #tpu.memory_space<vmem>>)
    %dma_wait3A_313 = arith.constant 3 : i32
    %dma_wait3A_314 = arith.constant 384 : i32
    %dma_wait3A_315 = arith.constant 0 : i32
    %dma_wait3A_316 = tpu.memref_slice %arg13[%dma_wait3A_314, %dma_wait3A_315] : memref<512x32xf32, #tpu.memory_space<vmem>> -> memref<128x32xf32, #tpu.memory_space<vmem>>
    %dma_wait3A_317 = arith.constant 0 : i32
    %dma_wait3A_318 = tpu.memref_slice %arg11[%dma_wait3A_313, %dma_wait3A_317] : memref<4x128xi32, #tpu.memory_space<vmem>> -> memref<1x128xi32, #tpu.memory_space<vmem>>
    %dma_wait3A_319 = tpu.memref_squeeze %dma_wait3A_318 : memref<1x128xi32, #tpu.memory_space<vmem>> -> memref<128xi32, #tpu.memory_space<vmem>>
    %dma_wait3A_320 = arith.constant 0 : i32
    %dma_wait3A_321 = arith.constant 0 : i32
    %dma_wait3A_322 = tpu.memref_slice %arg6[%dma_wait3A_320, %dma_wait3A_321] : memref<1000000x32xf32, #tpu.memory_space<hbm>> -> memref<1000000x32xf32, #tpu.memory_space<hbm>>
    tpu.wait_indirect_dma semaphore(%arg20 : memref<!tpu.dma_semaphore, #tpu.memory_space<semaphore_mem>>) src(%dma_wait3A_322 : memref<1000000x32xf32, #tpu.memory_space<hbm>>) dst(%dma_wait3A_316 : memref<128x32xf32, #tpu.memory_space<vmem>>)
    %mul3A_323 = arith.constant 512 : i32
    %mul3A_324 = vector.broadcast %mul3A_323 : i32 to vector<16xi32>
    %mul3A_325 = arith.muli %iota3A, %mul3A_324 : vector<16xi32>
    %scan3A = arith.constant 0 : i32
    %scan3A_326 = arith.constant 0 : i32
    %scan3A_327 = arith.constant 512 : i32
    %scan3A_328 = arith.addi %scan3A_326, %scan3A_327 : i32
    %scan3A_329 = arith.constant 1 : i32
    %scan3A_330 = scf.for %scan3A_339 = %scan3A_326 to %scan3A_328 step %scan3A_329 iter_args(%scan3A_340 = %scan3A) -> (i32)  : i32 {
      %add3A_341 = arith.constant 0 : i32
      %add3A_342 = arith.addi %add3A_341, %scan3A_339 : i32
      %add3A_343 = vector.broadcast %add3A_342 : i32 to vector<16xi32>
      %add3A_344 = arith.addi %mul3A_325, %add3A_343 : vector<16xi32>
      %get3A = arith.index_cast %scan3A_339 : i32 to index
      %get3A_345 = arith.constant 0 : index
      %get3A_346 = tpu.vector_load %arg12[%get3A, %get3A_345] {strides = array<i32>} : memref<512x32xf32, #tpu.memory_space<vmem>>, vector<16xf32>,
      tpu.vector_store_idx %arg14[%add3A_344], %get3A_346 : memref<16384xf32, #tpu.memory_space<vmem>>[vector<16xi32>], vector<16xf32>,
      %get3A_347 = arith.index_cast %scan3A_339 : i32 to index
      %get3A_348 = arith.constant 0 : index
      %get3A_349 = tpu.vector_load %arg13[%get3A_347, %get3A_348] {strides = array<i32>} : memref<512x32xf32, #tpu.memory_space<vmem>>, vector<16xf32>,
      tpu.vector_store_idx %arg15[%add3A_344], %get3A_349 : memref<16384xf32, #tpu.memory_space<vmem>>[vector<16xi32>], vector<16xf32>,
      %add3A_350 = arith.constant 8192 : i32
      %add3A_351 = arith.addi %add3A_350, %scan3A_339 : i32
      %add3A_352 = vector.broadcast %add3A_351 : i32 to vector<16xi32>
      %add3A_353 = arith.addi %mul3A_325, %add3A_352 : vector<16xi32>
      %get3A_354 = arith.index_cast %scan3A_339 : i32 to index
      %get3A_355 = arith.constant 16 : index
      %get3A_356 = tpu.vector_load %arg12[%get3A_354, %get3A_355] {strides = array<i32>} : memref<512x32xf32, #tpu.memory_space<vmem>>, vector<16xf32>,
      tpu.vector_store_idx %arg14[%add3A_353], %get3A_356 : memref<16384xf32, #tpu.memory_space<vmem>>[vector<16xi32>], vector<16xf32>,
      %get3A_357 = arith.index_cast %scan3A_339 : i32 to index
      %get3A_358 = arith.constant 16 : index
      %get3A_359 = tpu.vector_load %arg13[%get3A_357, %get3A_358] {strides = array<i32>} : memref<512x32xf32, #tpu.memory_space<vmem>>, vector<16xf32>,
      tpu.vector_store_idx %arg15[%add3A_353], %get3A_359 : memref<16384xf32, #tpu.memory_space<vmem>>[vector<16xi32>], vector<16xf32>,
      %scan3A_360 = arith.constant 0 : i32
      scf.yield %scan3A_360 : i32
    }
    %scan3A_331 = arith.constant 512 : i32
    %scan3A_332 = arith.constant 0 : i32
    %scan3A_333 = arith.constant 0 : i32
    %scan3A_334 = arith.constant 32 : i32
    %scan3A_335 = arith.addi %scan3A_333, %scan3A_334 : i32
    %scan3A_336 = arith.constant 1 : i32
    %scan3A_337 = scf.for %scan3A_339 = %scan3A_333 to %scan3A_335 step %scan3A_336 iter_args(%scan3A_340 = %scan3A_332) -> (i32)  : i32 {
      %jit3A = arith.constant 8 : i32
      %div3A = arith.divsi %scan3A_339, %jit3A : i32
      %sign3A = arith.constant 0 : i32
      %sign3A_341 = arith.cmpi sgt, %scan3A_339, %sign3A : i32
      %sign3A_342 = arith.extui %sign3A_341 : i1 to i32
      %sign3A_343 = arith.constant 0 : i32
      %sign3A_344 = arith.cmpi slt, %scan3A_339, %sign3A_343 : i32
      %sign3A_345 = arith.extui %sign3A_344 : i1 to i32
      %sign3A_346 = arith.subi %sign3A_342, %sign3A_345 : i32
      %sign3A_347 = arith.constant 0 : i32
      %sign3A_348 = arith.cmpi sgt, %jit3A, %sign3A_347 : i32
      %sign3A_349 = arith.extui %sign3A_348 : i1 to i32
      %sign3A_350 = arith.constant 0 : i32
      %sign3A_351 = arith.cmpi slt, %jit3A, %sign3A_350 : i32
      %sign3A_352 = arith.extui %sign3A_351 : i1 to i32
      %sign3A_353 = arith.subi %sign3A_349, %sign3A_352 : i32
      %ne3A = arith.cmpi ne, %sign3A_346, %sign3A_353 : i32
      %rem3A = arith.remsi %scan3A_339, %jit3A : i32
      %ne3A_354 = arith.constant 0 : i32
      %ne3A_355 = arith.cmpi ne, %rem3A, %ne3A_354 : i32
      %and3A = arith.andi %ne3A, %ne3A_355 : i1
      %sub3A = arith.constant 1 : i32
      %sub3A_356 = arith.subi %div3A, %sub3A : i32
      %select_n3A = arith.select %and3A, %sub3A_356, %div3A : i32
      %jit3A_357 = arith.constant 8 : i32
      %eq3A = arith.constant 0 : i32
      %eq3A_358 = arith.cmpi eq, %jit3A_357, %eq3A : i32
      %jit3A_359 = arith.constant 1 : i32
      %select_n3A_360 = arith.select %eq3A_358, %jit3A_359, %jit3A_357 : i32
      %rem3A_361 = arith.remsi %scan3A_339, %select_n3A_360 : i32
      %ne3A_362 = arith.constant 0 : i32
      %ne3A_363 = arith.cmpi ne, %rem3A_361, %ne3A_362 : i32
      %lt3A = arith.constant 0 : i32
      %lt3A_364 = arith.cmpi slt, %rem3A_361, %lt3A : i32
      %lt3A_365 = arith.constant 0 : i32
      %lt3A_366 = arith.cmpi slt, %select_n3A_360, %lt3A_365 : i32
      %ne3A_367 = arith.xori %lt3A_364, %lt3A_366 : i1
      %and3A_368 = arith.andi %ne3A_367, %ne3A_363 : i1
      %add3A_369 = arith.addi %rem3A_361, %select_n3A_360 : i32
      %select_n3A_370 = arith.select %and3A_368, %add3A_369, %rem3A_361 : i32
      %mul3A_371 = arith.constant 16 : i32
      %mul3A_372 = arith.muli %select_n3A_370, %mul3A_371 : i32
      %get3A = arith.constant 0 : index
      %get3A_373 = tpu.vector_load %arg18[%get3A] {strides = array<i32>} : memref<32xf32, #tpu.memory_space<vmem>>, vector<16xf32>,
      %get3A_374 = arith.constant 16 : index
      %get3A_375 = tpu.vector_load %arg18[%get3A_374] {strides = array<i32>} : memref<32xf32, #tpu.memory_space<vmem>>, vector<16xf32>,
      %get3A_376 = arith.index_cast %select_n3A : i32 to index
      %get3A_377 = arith.index_cast %mul3A_372 : i32 to index
      %get3A_378 = tpu.vector_load %arg16[%get3A_376, %get3A_377] {strides = array<i32>} : memref<4x128xf32, #tpu.memory_space<vmem>>, vector<16xf32>,
      %get3A_379 = arith.index_cast %select_n3A : i32 to index
      %get3A_380 = arith.index_cast %mul3A_372 : i32 to index
      %get3A_381 = tpu.vector_load %arg17[%get3A_379, %get3A_380] {strides = array<i32>} : memref<4x128xf32, #tpu.memory_space<vmem>>, vector<16xf32>,
      %add3A_382 = arith.addf %get3A_378, %get3A_381 : vector<16xf32>
      %slice3A = vector.extract_strided_slice %get3A_373 {offsets = [0], sizes = [1], strides = [1]} : vector<16xf32> to vector<1xf32>
      %squeeze3A = vector.extract %slice3A[0] : f32 from vector<1xf32>
      %mul3A_383 = arith.constant 16 : i32
      %mul3A_384 = arith.muli %scan3A_339, %mul3A_383 : i32
      %add3A_385 = arith.constant 0 : i32
      %add3A_386 = arith.addi %add3A_385, %mul3A_384 : i32
      %get3A_387 = arith.index_cast %add3A_386 : i32 to index
      %get3A_388 = tpu.vector_load %arg15[%get3A_387] {strides = array<i32>} : memref<16384xf32, #tpu.memory_space<vmem>>, vector<16xf32>,
      %mul3A_389 = arith.constant 16 : i32
      %mul3A_390 = arith.muli %scan3A_339, %mul3A_389 : i32
      %add3A_391 = arith.constant 0 : i32
      %add3A_392 = arith.addi %add3A_391, %mul3A_390 : i32
      %get3A_393 = arith.index_cast %add3A_392 : i32 to index
      %get3A_394 = tpu.vector_load %arg14[%get3A_393] {strides = array<i32>} : memref<16384xf32, #tpu.memory_space<vmem>>, vector<16xf32>,
      %mul3A_395 = vector.broadcast %squeeze3A : f32 to vector<16xf32>
      %mul3A_396 = arith.mulf %mul3A_395, %get3A_388 : vector<16xf32>
      %mul3A_397 = arith.mulf %mul3A_396, %get3A_394 : vector<16xf32>
      %add3A_398 = arith.addf %add3A_382, %mul3A_397 : vector<16xf32>
      %slice3A_399 = vector.extract_strided_slice %get3A_373 {offsets = [1], sizes = [1], strides = [1]} : vector<16xf32> to vector<1xf32>
      %squeeze3A_400 = vector.extract %slice3A_399[0] : f32 from vector<1xf32>
      %mul3A_401 = arith.constant 16 : i32
      %mul3A_402 = arith.muli %scan3A_339, %mul3A_401 : i32
      %add3A_403 = arith.constant 512 : i32
      %add3A_404 = arith.addi %add3A_403, %mul3A_402 : i32
      %get3A_405 = arith.index_cast %add3A_404 : i32 to index
      %get3A_406 = tpu.vector_load %arg15[%get3A_405] {strides = array<i32>} : memref<16384xf32, #tpu.memory_space<vmem>>, vector<16xf32>,
      %mul3A_407 = arith.constant 16 : i32
      %mul3A_408 = arith.muli %scan3A_339, %mul3A_407 : i32
      %add3A_409 = arith.constant 512 : i32
      %add3A_410 = arith.addi %add3A_409, %mul3A_408 : i32
      %get3A_411 = arith.index_cast %add3A_410 : i32 to index
      %get3A_412 = tpu.vector_load %arg14[%get3A_411] {strides = array<i32>} : memref<16384xf32, #tpu.memory_space<vmem>>, vector<16xf32>,
      %mul3A_413 = vector.broadcast %squeeze3A_400 : f32 to vector<16xf32>
      %mul3A_414 = arith.mulf %mul3A_413, %get3A_406 : vector<16xf32>
      %mul3A_415 = arith.mulf %mul3A_414, %get3A_412 : vector<16xf32>
      %add3A_416 = arith.addf %add3A_398, %mul3A_415 : vector<16xf32>
      %slice3A_417 = vector.extract_strided_slice %get3A_373 {offsets = [2], sizes = [1], strides = [1]} : vector<16xf32> to vector<1xf32>
      %squeeze3A_418 = vector.extract %slice3A_417[0] : f32 from vector<1xf32>
      %mul3A_419 = arith.constant 16 : i32
      %mul3A_420 = arith.muli %scan3A_339, %mul3A_419 : i32
      %add3A_421 = arith.constant 1024 : i32
      %add3A_422 = arith.addi %add3A_421, %mul3A_420 : i32
      %get3A_423 = arith.index_cast %add3A_422 : i32 to index
      %get3A_424 = tpu.vector_load %arg15[%get3A_423] {strides = array<i32>} : memref<16384xf32, #tpu.memory_space<vmem>>, vector<16xf32>,
      %mul3A_425 = arith.constant 16 : i32
      %mul3A_426 = arith.muli %scan3A_339, %mul3A_425 : i32
      %add3A_427 = arith.constant 1024 : i32
      %add3A_428 = arith.addi %add3A_427, %mul3A_426 : i32
      %get3A_429 = arith.index_cast %add3A_428 : i32 to index
      %get3A_430 = tpu.vector_load %arg14[%get3A_429] {strides = array<i32>} : memref<16384xf32, #tpu.memory_space<vmem>>, vector<16xf32>,
      %mul3A_431 = vector.broadcast %squeeze3A_418 : f32 to vector<16xf32>
      %mul3A_432 = arith.mulf %mul3A_431, %get3A_424 : vector<16xf32>
      %mul3A_433 = arith.mulf %mul3A_432, %get3A_430 : vector<16xf32>
      %add3A_434 = arith.addf %add3A_416, %mul3A_433 : vector<16xf32>
      %slice3A_435 = vector.extract_strided_slice %get3A_373 {offsets = [3], sizes = [1], strides = [1]} : vector<16xf32> to vector<1xf32>
      %squeeze3A_436 = vector.extract %slice3A_435[0] : f32 from vector<1xf32>
      %mul3A_437 = arith.constant 16 : i32
      %mul3A_438 = arith.muli %scan3A_339, %mul3A_437 : i32
      %add3A_439 = arith.constant 1536 : i32
      %add3A_440 = arith.addi %add3A_439, %mul3A_438 : i32
      %get3A_441 = arith.index_cast %add3A_440 : i32 to index
      %get3A_442 = tpu.vector_load %arg15[%get3A_441] {strides = array<i32>} : memref<16384xf32, #tpu.memory_space<vmem>>, vector<16xf32>,
      %mul3A_443 = arith.constant 16 : i32
      %mul3A_444 = arith.muli %scan3A_339, %mul3A_443 : i32
      %add3A_445 = arith.constant 1536 : i32
      %add3A_446 = arith.addi %add3A_445, %mul3A_444 : i32
      %get3A_447 = arith.index_cast %add3A_446 : i32 to index
      %get3A_448 = tpu.vector_load %arg14[%get3A_447] {strides = array<i32>} : memref<16384xf32, #tpu.memory_space<vmem>>, vector<16xf32>,
      %mul3A_449 = vector.broadcast %squeeze3A_436 : f32 to vector<16xf32>
      %mul3A_450 = arith.mulf %mul3A_449, %get3A_442 : vector<16xf32>
      %mul3A_451 = arith.mulf %mul3A_450, %get3A_448 : vector<16xf32>
      %add3A_452 = arith.addf %add3A_434, %mul3A_451 : vector<16xf32>
      %slice3A_453 = vector.extract_strided_slice %get3A_373 {offsets = [4], sizes = [1], strides = [1]} : vector<16xf32> to vector<1xf32>
      %squeeze3A_454 = vector.extract %slice3A_453[0] : f32 from vector<1xf32>
      %mul3A_455 = arith.constant 16 : i32
      %mul3A_456 = arith.muli %scan3A_339, %mul3A_455 : i32
      %add3A_457 = arith.constant 2048 : i32
      %add3A_458 = arith.addi %add3A_457, %mul3A_456 : i32
      %get3A_459 = arith.index_cast %add3A_458 : i32 to index
      %get3A_460 = tpu.vector_load %arg15[%get3A_459] {strides = array<i32>} : memref<16384xf32, #tpu.memory_space<vmem>>, vector<16xf32>,
      %mul3A_461 = arith.constant 16 : i32
      %mul3A_462 = arith.muli %scan3A_339, %mul3A_461 : i32
      %add3A_463 = arith.constant 2048 : i32
      %add3A_464 = arith.addi %add3A_463, %mul3A_462 : i32
      %get3A_465 = arith.index_cast %add3A_464 : i32 to index
      %get3A_466 = tpu.vector_load %arg14[%get3A_465] {strides = array<i32>} : memref<16384xf32, #tpu.memory_space<vmem>>, vector<16xf32>,
      %mul3A_467 = vector.broadcast %squeeze3A_454 : f32 to vector<16xf32>
      %mul3A_468 = arith.mulf %mul3A_467, %get3A_460 : vector<16xf32>
      %mul3A_469 = arith.mulf %mul3A_468, %get3A_466 : vector<16xf32>
      %add3A_470 = arith.addf %add3A_452, %mul3A_469 : vector<16xf32>
      %slice3A_471 = vector.extract_strided_slice %get3A_373 {offsets = [5], sizes = [1], strides = [1]} : vector<16xf32> to vector<1xf32>
      %squeeze3A_472 = vector.extract %slice3A_471[0] : f32 from vector<1xf32>
      %mul3A_473 = arith.constant 16 : i32
      %mul3A_474 = arith.muli %scan3A_339, %mul3A_473 : i32
      %add3A_475 = arith.constant 2560 : i32
      %add3A_476 = arith.addi %add3A_475, %mul3A_474 : i32
      %get3A_477 = arith.index_cast %add3A_476 : i32 to index
      %get3A_478 = tpu.vector_load %arg15[%get3A_477] {strides = array<i32>} : memref<16384xf32, #tpu.memory_space<vmem>>, vector<16xf32>,
      %mul3A_479 = arith.constant 16 : i32
      %mul3A_480 = arith.muli %scan3A_339, %mul3A_479 : i32
      %add3A_481 = arith.constant 2560 : i32
      %add3A_482 = arith.addi %add3A_481, %mul3A_480 : i32
      %get3A_483 = arith.index_cast %add3A_482 : i32 to index
      %get3A_484 = tpu.vector_load %arg14[%get3A_483] {strides = array<i32>} : memref<16384xf32, #tpu.memory_space<vmem>>, vector<16xf32>,
      %mul3A_485 = vector.broadcast %squeeze3A_472 : f32 to vector<16xf32>
      %mul3A_486 = arith.mulf %mul3A_485, %get3A_478 : vector<16xf32>
      %mul3A_487 = arith.mulf %mul3A_486, %get3A_484 : vector<16xf32>
      %add3A_488 = arith.addf %add3A_470, %mul3A_487 : vector<16xf32>
      %slice3A_489 = vector.extract_strided_slice %get3A_373 {offsets = [6], sizes = [1], strides = [1]} : vector<16xf32> to vector<1xf32>
      %squeeze3A_490 = vector.extract %slice3A_489[0] : f32 from vector<1xf32>
      %mul3A_491 = arith.constant 16 : i32
      %mul3A_492 = arith.muli %scan3A_339, %mul3A_491 : i32
      %add3A_493 = arith.constant 3072 : i32
      %add3A_494 = arith.addi %add3A_493, %mul3A_492 : i32
      %get3A_495 = arith.index_cast %add3A_494 : i32 to index
      %get3A_496 = tpu.vector_load %arg15[%get3A_495] {strides = array<i32>} : memref<16384xf32, #tpu.memory_space<vmem>>, vector<16xf32>,
      %mul3A_497 = arith.constant 16 : i32
      %mul3A_498 = arith.muli %scan3A_339, %mul3A_497 : i32
      %add3A_499 = arith.constant 3072 : i32
      %add3A_500 = arith.addi %add3A_499, %mul3A_498 : i32
      %get3A_501 = arith.index_cast %add3A_500 : i32 to index
      %get3A_502 = tpu.vector_load %arg14[%get3A_501] {strides = array<i32>} : memref<16384xf32, #tpu.memory_space<vmem>>, vector<16xf32>,
      %mul3A_503 = vector.broadcast %squeeze3A_490 : f32 to vector<16xf32>
      %mul3A_504 = arith.mulf %mul3A_503, %get3A_496 : vector<16xf32>
      %mul3A_505 = arith.mulf %mul3A_504, %get3A_502 : vector<16xf32>
      %add3A_506 = arith.addf %add3A_488, %mul3A_505 : vector<16xf32>
      %slice3A_507 = vector.extract_strided_slice %get3A_373 {offsets = [7], sizes = [1], strides = [1]} : vector<16xf32> to vector<1xf32>
      %squeeze3A_508 = vector.extract %slice3A_507[0] : f32 from vector<1xf32>
      %mul3A_509 = arith.constant 16 : i32
      %mul3A_510 = arith.muli %scan3A_339, %mul3A_509 : i32
      %add3A_511 = arith.constant 3584 : i32
      %add3A_512 = arith.addi %add3A_511, %mul3A_510 : i32
      %get3A_513 = arith.index_cast %add3A_512 : i32 to index
      %get3A_514 = tpu.vector_load %arg15[%get3A_513] {strides = array<i32>} : memref<16384xf32, #tpu.memory_space<vmem>>, vector<16xf32>,
      %mul3A_515 = arith.constant 16 : i32
      %mul3A_516 = arith.muli %scan3A_339, %mul3A_515 : i32
      %add3A_517 = arith.constant 3584 : i32
      %add3A_518 = arith.addi %add3A_517, %mul3A_516 : i32
      %get3A_519 = arith.index_cast %add3A_518 : i32 to index
      %get3A_520 = tpu.vector_load %arg14[%get3A_519] {strides = array<i32>} : memref<16384xf32, #tpu.memory_space<vmem>>, vector<16xf32>,
      %mul3A_521 = vector.broadcast %squeeze3A_508 : f32 to vector<16xf32>
      %mul3A_522 = arith.mulf %mul3A_521, %get3A_514 : vector<16xf32>
      %mul3A_523 = arith.mulf %mul3A_522, %get3A_520 : vector<16xf32>
      %add3A_524 = arith.addf %add3A_506, %mul3A_523 : vector<16xf32>
      %slice3A_525 = vector.extract_strided_slice %get3A_373 {offsets = [8], sizes = [1], strides = [1]} : vector<16xf32> to vector<1xf32>
      %squeeze3A_526 = vector.extract %slice3A_525[0] : f32 from vector<1xf32>
      %mul3A_527 = arith.constant 16 : i32
      %mul3A_528 = arith.muli %scan3A_339, %mul3A_527 : i32
      %add3A_529 = arith.constant 4096 : i32
      %add3A_530 = arith.addi %add3A_529, %mul3A_528 : i32
      %get3A_531 = arith.index_cast %add3A_530 : i32 to index
      %get3A_532 = tpu.vector_load %arg15[%get3A_531] {strides = array<i32>} : memref<16384xf32, #tpu.memory_space<vmem>>, vector<16xf32>,
      %mul3A_533 = arith.constant 16 : i32
      %mul3A_534 = arith.muli %scan3A_339, %mul3A_533 : i32
      %add3A_535 = arith.constant 4096 : i32
      %add3A_536 = arith.addi %add3A_535, %mul3A_534 : i32
      %get3A_537 = arith.index_cast %add3A_536 : i32 to index
      %get3A_538 = tpu.vector_load %arg14[%get3A_537] {strides = array<i32>} : memref<16384xf32, #tpu.memory_space<vmem>>, vector<16xf32>,
      %mul3A_539 = vector.broadcast %squeeze3A_526 : f32 to vector<16xf32>
      %mul3A_540 = arith.mulf %mul3A_539, %get3A_532 : vector<16xf32>
      %mul3A_541 = arith.mulf %mul3A_540, %get3A_538 : vector<16xf32>
      %add3A_542 = arith.addf %add3A_524, %mul3A_541 : vector<16xf32>
      %slice3A_543 = vector.extract_strided_slice %get3A_373 {offsets = [9], sizes = [1], strides = [1]} : vector<16xf32> to vector<1xf32>
      %squeeze3A_544 = vector.extract %slice3A_543[0] : f32 from vector<1xf32>
      %mul3A_545 = arith.constant 16 : i32
      %mul3A_546 = arith.muli %scan3A_339, %mul3A_545 : i32
      %add3A_547 = arith.constant 4608 : i32
      %add3A_548 = arith.addi %add3A_547, %mul3A_546 : i32
      %get3A_549 = arith.index_cast %add3A_548 : i32 to index
      %get3A_550 = tpu.vector_load %arg15[%get3A_549] {strides = array<i32>} : memref<16384xf32, #tpu.memory_space<vmem>>, vector<16xf32>,
      %mul3A_551 = arith.constant 16 : i32
      %mul3A_552 = arith.muli %scan3A_339, %mul3A_551 : i32
      %add3A_553 = arith.constant 4608 : i32
      %add3A_554 = arith.addi %add3A_553, %mul3A_552 : i32
      %get3A_555 = arith.index_cast %add3A_554 : i32 to index
      %get3A_556 = tpu.vector_load %arg14[%get3A_555] {strides = array<i32>} : memref<16384xf32, #tpu.memory_space<vmem>>, vector<16xf32>,
      %mul3A_557 = vector.broadcast %squeeze3A_544 : f32 to vector<16xf32>
      %mul3A_558 = arith.mulf %mul3A_557, %get3A_550 : vector<16xf32>
      %mul3A_559 = arith.mulf %mul3A_558, %get3A_556 : vector<16xf32>
      %add3A_560 = arith.addf %add3A_542, %mul3A_559 : vector<16xf32>
      %slice3A_561 = vector.extract_strided_slice %get3A_373 {offsets = [10], sizes = [1], strides = [1]} : vector<16xf32> to vector<1xf32>
      %squeeze3A_562 = vector.extract %slice3A_561[0] : f32 from vector<1xf32>
      %mul3A_563 = arith.constant 16 : i32
      %mul3A_564 = arith.muli %scan3A_339, %mul3A_563 : i32
      %add3A_565 = arith.constant 5120 : i32
      %add3A_566 = arith.addi %add3A_565, %mul3A_564 : i32
      %get3A_567 = arith.index_cast %add3A_566 : i32 to index
      %get3A_568 = tpu.vector_load %arg15[%get3A_567] {strides = array<i32>} : memref<16384xf32, #tpu.memory_space<vmem>>, vector<16xf32>,
      %mul3A_569 = arith.constant 16 : i32
      %mul3A_570 = arith.muli %scan3A_339, %mul3A_569 : i32
      %add3A_571 = arith.constant 5120 : i32
      %add3A_572 = arith.addi %add3A_571, %mul3A_570 : i32
      %get3A_573 = arith.index_cast %add3A_572 : i32 to index
      %get3A_574 = tpu.vector_load %arg14[%get3A_573] {strides = array<i32>} : memref<16384xf32, #tpu.memory_space<vmem>>, vector<16xf32>,
      %mul3A_575 = vector.broadcast %squeeze3A_562 : f32 to vector<16xf32>
      %mul3A_576 = arith.mulf %mul3A_575, %get3A_568 : vector<16xf32>
      %mul3A_577 = arith.mulf %mul3A_576, %get3A_574 : vector<16xf32>
      %add3A_578 = arith.addf %add3A_560, %mul3A_577 : vector<16xf32>
      %slice3A_579 = vector.extract_strided_slice %get3A_373 {offsets = [11], sizes = [1], strides = [1]} : vector<16xf32> to vector<1xf32>
      %squeeze3A_580 = vector.extract %slice3A_579[0] : f32 from vector<1xf32>
      %mul3A_581 = arith.constant 16 : i32
      %mul3A_582 = arith.muli %scan3A_339, %mul3A_581 : i32
      %add3A_583 = arith.constant 5632 : i32
      %add3A_584 = arith.addi %add3A_583, %mul3A_582 : i32
      %get3A_585 = arith.index_cast %add3A_584 : i32 to index
      %get3A_586 = tpu.vector_load %arg15[%get3A_585] {strides = array<i32>} : memref<16384xf32, #tpu.memory_space<vmem>>, vector<16xf32>,
      %mul3A_587 = arith.constant 16 : i32
      %mul3A_588 = arith.muli %scan3A_339, %mul3A_587 : i32
      %add3A_589 = arith.constant 5632 : i32
      %add3A_590 = arith.addi %add3A_589, %mul3A_588 : i32
      %get3A_591 = arith.index_cast %add3A_590 : i32 to index
      %get3A_592 = tpu.vector_load %arg14[%get3A_591] {strides = array<i32>} : memref<16384xf32, #tpu.memory_space<vmem>>, vector<16xf32>,
      %mul3A_593 = vector.broadcast %squeeze3A_580 : f32 to vector<16xf32>
      %mul3A_594 = arith.mulf %mul3A_593, %get3A_586 : vector<16xf32>
      %mul3A_595 = arith.mulf %mul3A_594, %get3A_592 : vector<16xf32>
      %add3A_596 = arith.addf %add3A_578, %mul3A_595 : vector<16xf32>
      %slice3A_597 = vector.extract_strided_slice %get3A_373 {offsets = [12], sizes = [1], strides = [1]} : vector<16xf32> to vector<1xf32>
      %squeeze3A_598 = vector.extract %slice3A_597[0] : f32 from vector<1xf32>
      %mul3A_599 = arith.constant 16 : i32
      %mul3A_600 = arith.muli %scan3A_339, %mul3A_599 : i32
      %add3A_601 = arith.constant 6144 : i32
      %add3A_602 = arith.addi %add3A_601, %mul3A_600 : i32
      %get3A_603 = arith.index_cast %add3A_602 : i32 to index
      %get3A_604 = tpu.vector_load %arg15[%get3A_603] {strides = array<i32>} : memref<16384xf32, #tpu.memory_space<vmem>>, vector<16xf32>,
      %mul3A_605 = arith.constant 16 : i32
      %mul3A_606 = arith.muli %scan3A_339, %mul3A_605 : i32
      %add3A_607 = arith.constant 6144 : i32
      %add3A_608 = arith.addi %add3A_607, %mul3A_606 : i32
      %get3A_609 = arith.index_cast %add3A_608 : i32 to index
      %get3A_610 = tpu.vector_load %arg14[%get3A_609] {strides = array<i32>} : memref<16384xf32, #tpu.memory_space<vmem>>, vector<16xf32>,
      %mul3A_611 = vector.broadcast %squeeze3A_598 : f32 to vector<16xf32>
      %mul3A_612 = arith.mulf %mul3A_611, %get3A_604 : vector<16xf32>
      %mul3A_613 = arith.mulf %mul3A_612, %get3A_610 : vector<16xf32>
      %add3A_614 = arith.addf %add3A_596, %mul3A_613 : vector<16xf32>
      %slice3A_615 = vector.extract_strided_slice %get3A_373 {offsets = [13], sizes = [1], strides = [1]} : vector<16xf32> to vector<1xf32>
      %squeeze3A_616 = vector.extract %slice3A_615[0] : f32 from vector<1xf32>
      %mul3A_617 = arith.constant 16 : i32
      %mul3A_618 = arith.muli %scan3A_339, %mul3A_617 : i32
      %add3A_619 = arith.constant 6656 : i32
      %add3A_620 = arith.addi %add3A_619, %mul3A_618 : i32
      %get3A_621 = arith.index_cast %add3A_620 : i32 to index
      %get3A_622 = tpu.vector_load %arg15[%get3A_621] {strides = array<i32>} : memref<16384xf32, #tpu.memory_space<vmem>>, vector<16xf32>,
      %mul3A_623 = arith.constant 16 : i32
      %mul3A_624 = arith.muli %scan3A_339, %mul3A_623 : i32
      %add3A_625 = arith.constant 6656 : i32
      %add3A_626 = arith.addi %add3A_625, %mul3A_624 : i32
      %get3A_627 = arith.index_cast %add3A_626 : i32 to index
      %get3A_628 = tpu.vector_load %arg14[%get3A_627] {strides = array<i32>} : memref<16384xf32, #tpu.memory_space<vmem>>, vector<16xf32>,
      %mul3A_629 = vector.broadcast %squeeze3A_616 : f32 to vector<16xf32>
      %mul3A_630 = arith.mulf %mul3A_629, %get3A_622 : vector<16xf32>
      %mul3A_631 = arith.mulf %mul3A_630, %get3A_628 : vector<16xf32>
      %add3A_632 = arith.addf %add3A_614, %mul3A_631 : vector<16xf32>
      %slice3A_633 = vector.extract_strided_slice %get3A_373 {offsets = [14], sizes = [1], strides = [1]} : vector<16xf32> to vector<1xf32>
      %squeeze3A_634 = vector.extract %slice3A_633[0] : f32 from vector<1xf32>
      %mul3A_635 = arith.constant 16 : i32
      %mul3A_636 = arith.muli %scan3A_339, %mul3A_635 : i32
      %add3A_637 = arith.constant 7168 : i32
      %add3A_638 = arith.addi %add3A_637, %mul3A_636 : i32
      %get3A_639 = arith.index_cast %add3A_638 : i32 to index
      %get3A_640 = tpu.vector_load %arg15[%get3A_639] {strides = array<i32>} : memref<16384xf32, #tpu.memory_space<vmem>>, vector<16xf32>,
      %mul3A_641 = arith.constant 16 : i32
      %mul3A_642 = arith.muli %scan3A_339, %mul3A_641 : i32
      %add3A_643 = arith.constant 7168 : i32
      %add3A_644 = arith.addi %add3A_643, %mul3A_642 : i32
      %get3A_645 = arith.index_cast %add3A_644 : i32 to index
      %get3A_646 = tpu.vector_load %arg14[%get3A_645] {strides = array<i32>} : memref<16384xf32, #tpu.memory_space<vmem>>, vector<16xf32>,
      %mul3A_647 = vector.broadcast %squeeze3A_634 : f32 to vector<16xf32>
      %mul3A_648 = arith.mulf %mul3A_647, %get3A_640 : vector<16xf32>
      %mul3A_649 = arith.mulf %mul3A_648, %get3A_646 : vector<16xf32>
      %add3A_650 = arith.addf %add3A_632, %mul3A_649 : vector<16xf32>
      %slice3A_651 = vector.extract_strided_slice %get3A_373 {offsets = [15], sizes = [1], strides = [1]} : vector<16xf32> to vector<1xf32>
      %squeeze3A_652 = vector.extract %slice3A_651[0] : f32 from vector<1xf32>
      %mul3A_653 = arith.constant 16 : i32
      %mul3A_654 = arith.muli %scan3A_339, %mul3A_653 : i32
      %add3A_655 = arith.constant 7680 : i32
      %add3A_656 = arith.addi %add3A_655, %mul3A_654 : i32
      %get3A_657 = arith.index_cast %add3A_656 : i32 to index
      %get3A_658 = tpu.vector_load %arg15[%get3A_657] {strides = array<i32>} : memref<16384xf32, #tpu.memory_space<vmem>>, vector<16xf32>,
      %mul3A_659 = arith.constant 16 : i32
      %mul3A_660 = arith.muli %scan3A_339, %mul3A_659 : i32
      %add3A_661 = arith.constant 7680 : i32
      %add3A_662 = arith.addi %add3A_661, %mul3A_660 : i32
      %get3A_663 = arith.index_cast %add3A_662 : i32 to index
      %get3A_664 = tpu.vector_load %arg14[%get3A_663] {strides = array<i32>} : memref<16384xf32, #tpu.memory_space<vmem>>, vector<16xf32>,
      %mul3A_665 = vector.broadcast %squeeze3A_652 : f32 to vector<16xf32>
      %mul3A_666 = arith.mulf %mul3A_665, %get3A_658 : vector<16xf32>
      %mul3A_667 = arith.mulf %mul3A_666, %get3A_664 : vector<16xf32>
      %add3A_668 = arith.addf %add3A_650, %mul3A_667 : vector<16xf32>
      %slice3A_669 = vector.extract_strided_slice %get3A_375 {offsets = [0], sizes = [1], strides = [1]} : vector<16xf32> to vector<1xf32>
      %squeeze3A_670 = vector.extract %slice3A_669[0] : f32 from vector<1xf32>
      %mul3A_671 = arith.constant 16 : i32
      %mul3A_672 = arith.muli %scan3A_339, %mul3A_671 : i32
      %add3A_673 = arith.constant 8192 : i32
      %add3A_674 = arith.addi %add3A_673, %mul3A_672 : i32
      %get3A_675 = arith.index_cast %add3A_674 : i32 to index
      %get3A_676 = tpu.vector_load %arg15[%get3A_675] {strides = array<i32>} : memref<16384xf32, #tpu.memory_space<vmem>>, vector<16xf32>,
      %mul3A_677 = arith.constant 16 : i32
      %mul3A_678 = arith.muli %scan3A_339, %mul3A_677 : i32
      %add3A_679 = arith.constant 8192 : i32
      %add3A_680 = arith.addi %add3A_679, %mul3A_678 : i32
      %get3A_681 = arith.index_cast %add3A_680 : i32 to index
      %get3A_682 = tpu.vector_load %arg14[%get3A_681] {strides = array<i32>} : memref<16384xf32, #tpu.memory_space<vmem>>, vector<16xf32>,
      %mul3A_683 = vector.broadcast %squeeze3A_670 : f32 to vector<16xf32>
      %mul3A_684 = arith.mulf %mul3A_683, %get3A_676 : vector<16xf32>
      %mul3A_685 = arith.mulf %mul3A_684, %get3A_682 : vector<16xf32>
      %add3A_686 = arith.addf %add3A_668, %mul3A_685 : vector<16xf32>
      %slice3A_687 = vector.extract_strided_slice %get3A_375 {offsets = [1], sizes = [1], strides = [1]} : vector<16xf32> to vector<1xf32>
      %squeeze3A_688 = vector.extract %slice3A_687[0] : f32 from vector<1xf32>
      %mul3A_689 = arith.constant 16 : i32
      %mul3A_690 = arith.muli %scan3A_339, %mul3A_689 : i32
      %add3A_691 = arith.constant 8704 : i32
      %add3A_692 = arith.addi %add3A_691, %mul3A_690 : i32
      %get3A_693 = arith.index_cast %add3A_692 : i32 to index
      %get3A_694 = tpu.vector_load %arg15[%get3A_693] {strides = array<i32>} : memref<16384xf32, #tpu.memory_space<vmem>>, vector<16xf32>,
      %mul3A_695 = arith.constant 16 : i32
      %mul3A_696 = arith.muli %scan3A_339, %mul3A_695 : i32
      %add3A_697 = arith.constant 8704 : i32
      %add3A_698 = arith.addi %add3A_697, %mul3A_696 : i32
      %get3A_699 = arith.index_cast %add3A_698 : i32 to index
      %get3A_700 = tpu.vector_load %arg14[%get3A_699] {strides = array<i32>} : memref<16384xf32, #tpu.memory_space<vmem>>, vector<16xf32>,
      %mul3A_701 = vector.broadcast %squeeze3A_688 : f32 to vector<16xf32>
      %mul3A_702 = arith.mulf %mul3A_701, %get3A_694 : vector<16xf32>
      %mul3A_703 = arith.mulf %mul3A_702, %get3A_700 : vector<16xf32>
      %add3A_704 = arith.addf %add3A_686, %mul3A_703 : vector<16xf32>
      %slice3A_705 = vector.extract_strided_slice %get3A_375 {offsets = [2], sizes = [1], strides = [1]} : vector<16xf32> to vector<1xf32>
      %squeeze3A_706 = vector.extract %slice3A_705[0] : f32 from vector<1xf32>
      %mul3A_707 = arith.constant 16 : i32
      %mul3A_708 = arith.muli %scan3A_339, %mul3A_707 : i32
      %add3A_709 = arith.constant 9216 : i32
      %add3A_710 = arith.addi %add3A_709, %mul3A_708 : i32
      %get3A_711 = arith.index_cast %add3A_710 : i32 to index
      %get3A_712 = tpu.vector_load %arg15[%get3A_711] {strides = array<i32>} : memref<16384xf32, #tpu.memory_space<vmem>>, vector<16xf32>,
      %mul3A_713 = arith.constant 16 : i32
      %mul3A_714 = arith.muli %scan3A_339, %mul3A_713 : i32
      %add3A_715 = arith.constant 9216 : i32
      %add3A_716 = arith.addi %add3A_715, %mul3A_714 : i32
      %get3A_717 = arith.index_cast %add3A_716 : i32 to index
      %get3A_718 = tpu.vector_load %arg14[%get3A_717] {strides = array<i32>} : memref<16384xf32, #tpu.memory_space<vmem>>, vector<16xf32>,
      %mul3A_719 = vector.broadcast %squeeze3A_706 : f32 to vector<16xf32>
      %mul3A_720 = arith.mulf %mul3A_719, %get3A_712 : vector<16xf32>
      %mul3A_721 = arith.mulf %mul3A_720, %get3A_718 : vector<16xf32>
      %add3A_722 = arith.addf %add3A_704, %mul3A_721 : vector<16xf32>
      %slice3A_723 = vector.extract_strided_slice %get3A_375 {offsets = [3], sizes = [1], strides = [1]} : vector<16xf32> to vector<1xf32>
      %squeeze3A_724 = vector.extract %slice3A_723[0] : f32 from vector<1xf32>
      %mul3A_725 = arith.constant 16 : i32
      %mul3A_726 = arith.muli %scan3A_339, %mul3A_725 : i32
      %add3A_727 = arith.constant 9728 : i32
      %add3A_728 = arith.addi %add3A_727, %mul3A_726 : i32
      %get3A_729 = arith.index_cast %add3A_728 : i32 to index
      %get3A_730 = tpu.vector_load %arg15[%get3A_729] {strides = array<i32>} : memref<16384xf32, #tpu.memory_space<vmem>>, vector<16xf32>,
      %mul3A_731 = arith.constant 16 : i32
      %mul3A_732 = arith.muli %scan3A_339, %mul3A_731 : i32
      %add3A_733 = arith.constant 9728 : i32
      %add3A_734 = arith.addi %add3A_733, %mul3A_732 : i32
      %get3A_735 = arith.index_cast %add3A_734 : i32 to index
      %get3A_736 = tpu.vector_load %arg14[%get3A_735] {strides = array<i32>} : memref<16384xf32, #tpu.memory_space<vmem>>, vector<16xf32>,
      %mul3A_737 = vector.broadcast %squeeze3A_724 : f32 to vector<16xf32>
      %mul3A_738 = arith.mulf %mul3A_737, %get3A_730 : vector<16xf32>
      %mul3A_739 = arith.mulf %mul3A_738, %get3A_736 : vector<16xf32>
      %add3A_740 = arith.addf %add3A_722, %mul3A_739 : vector<16xf32>
      %slice3A_741 = vector.extract_strided_slice %get3A_375 {offsets = [4], sizes = [1], strides = [1]} : vector<16xf32> to vector<1xf32>
      %squeeze3A_742 = vector.extract %slice3A_741[0] : f32 from vector<1xf32>
      %mul3A_743 = arith.constant 16 : i32
      %mul3A_744 = arith.muli %scan3A_339, %mul3A_743 : i32
      %add3A_745 = arith.constant 10240 : i32
      %add3A_746 = arith.addi %add3A_745, %mul3A_744 : i32
      %get3A_747 = arith.index_cast %add3A_746 : i32 to index
      %get3A_748 = tpu.vector_load %arg15[%get3A_747] {strides = array<i32>} : memref<16384xf32, #tpu.memory_space<vmem>>, vector<16xf32>,
      %mul3A_749 = arith.constant 16 : i32
      %mul3A_750 = arith.muli %scan3A_339, %mul3A_749 : i32
      %add3A_751 = arith.constant 10240 : i32
      %add3A_752 = arith.addi %add3A_751, %mul3A_750 : i32
      %get3A_753 = arith.index_cast %add3A_752 : i32 to index
      %get3A_754 = tpu.vector_load %arg14[%get3A_753] {strides = array<i32>} : memref<16384xf32, #tpu.memory_space<vmem>>, vector<16xf32>,
      %mul3A_755 = vector.broadcast %squeeze3A_742 : f32 to vector<16xf32>
      %mul3A_756 = arith.mulf %mul3A_755, %get3A_748 : vector<16xf32>
      %mul3A_757 = arith.mulf %mul3A_756, %get3A_754 : vector<16xf32>
      %add3A_758 = arith.addf %add3A_740, %mul3A_757 : vector<16xf32>
      %slice3A_759 = vector.extract_strided_slice %get3A_375 {offsets = [5], sizes = [1], strides = [1]} : vector<16xf32> to vector<1xf32>
      %squeeze3A_760 = vector.extract %slice3A_759[0] : f32 from vector<1xf32>
      %mul3A_761 = arith.constant 16 : i32
      %mul3A_762 = arith.muli %scan3A_339, %mul3A_761 : i32
      %add3A_763 = arith.constant 10752 : i32
      %add3A_764 = arith.addi %add3A_763, %mul3A_762 : i32
      %get3A_765 = arith.index_cast %add3A_764 : i32 to index
      %get3A_766 = tpu.vector_load %arg15[%get3A_765] {strides = array<i32>} : memref<16384xf32, #tpu.memory_space<vmem>>, vector<16xf32>,
      %mul3A_767 = arith.constant 16 : i32
      %mul3A_768 = arith.muli %scan3A_339, %mul3A_767 : i32
      %add3A_769 = arith.constant 10752 : i32
      %add3A_770 = arith.addi %add3A_769, %mul3A_768 : i32
      %get3A_771 = arith.index_cast %add3A_770 : i32 to index
      %get3A_772 = tpu.vector_load %arg14[%get3A_771] {strides = array<i32>} : memref<16384xf32, #tpu.memory_space<vmem>>, vector<16xf32>,
      %mul3A_773 = vector.broadcast %squeeze3A_760 : f32 to vector<16xf32>
      %mul3A_774 = arith.mulf %mul3A_773, %get3A_766 : vector<16xf32>
      %mul3A_775 = arith.mulf %mul3A_774, %get3A_772 : vector<16xf32>
      %add3A_776 = arith.addf %add3A_758, %mul3A_775 : vector<16xf32>
      %slice3A_777 = vector.extract_strided_slice %get3A_375 {offsets = [6], sizes = [1], strides = [1]} : vector<16xf32> to vector<1xf32>
      %squeeze3A_778 = vector.extract %slice3A_777[0] : f32 from vector<1xf32>
      %mul3A_779 = arith.constant 16 : i32
      %mul3A_780 = arith.muli %scan3A_339, %mul3A_779 : i32
      %add3A_781 = arith.constant 11264 : i32
      %add3A_782 = arith.addi %add3A_781, %mul3A_780 : i32
      %get3A_783 = arith.index_cast %add3A_782 : i32 to index
      %get3A_784 = tpu.vector_load %arg15[%get3A_783] {strides = array<i32>} : memref<16384xf32, #tpu.memory_space<vmem>>, vector<16xf32>,
      %mul3A_785 = arith.constant 16 : i32
      %mul3A_786 = arith.muli %scan3A_339, %mul3A_785 : i32
      %add3A_787 = arith.constant 11264 : i32
      %add3A_788 = arith.addi %add3A_787, %mul3A_786 : i32
      %get3A_789 = arith.index_cast %add3A_788 : i32 to index
      %get3A_790 = tpu.vector_load %arg14[%get3A_789] {strides = array<i32>} : memref<16384xf32, #tpu.memory_space<vmem>>, vector<16xf32>,
      %mul3A_791 = vector.broadcast %squeeze3A_778 : f32 to vector<16xf32>
      %mul3A_792 = arith.mulf %mul3A_791, %get3A_784 : vector<16xf32>
      %mul3A_793 = arith.mulf %mul3A_792, %get3A_790 : vector<16xf32>
      %add3A_794 = arith.addf %add3A_776, %mul3A_793 : vector<16xf32>
      %slice3A_795 = vector.extract_strided_slice %get3A_375 {offsets = [7], sizes = [1], strides = [1]} : vector<16xf32> to vector<1xf32>
      %squeeze3A_796 = vector.extract %slice3A_795[0] : f32 from vector<1xf32>
      %mul3A_797 = arith.constant 16 : i32
      %mul3A_798 = arith.muli %scan3A_339, %mul3A_797 : i32
      %add3A_799 = arith.constant 11776 : i32
      %add3A_800 = arith.addi %add3A_799, %mul3A_798 : i32
      %get3A_801 = arith.index_cast %add3A_800 : i32 to index
      %get3A_802 = tpu.vector_load %arg15[%get3A_801] {strides = array<i32>} : memref<16384xf32, #tpu.memory_space<vmem>>, vector<16xf32>,
      %mul3A_803 = arith.constant 16 : i32
      %mul3A_804 = arith.muli %scan3A_339, %mul3A_803 : i32
      %add3A_805 = arith.constant 11776 : i32
      %add3A_806 = arith.addi %add3A_805, %mul3A_804 : i32
      %get3A_807 = arith.index_cast %add3A_806 : i32 to index
      %get3A_808 = tpu.vector_load %arg14[%get3A_807] {strides = array<i32>} : memref<16384xf32, #tpu.memory_space<vmem>>, vector<16xf32>,
      %mul3A_809 = vector.broadcast %squeeze3A_796 : f32 to vector<16xf32>
      %mul3A_810 = arith.mulf %mul3A_809, %get3A_802 : vector<16xf32>
      %mul3A_811 = arith.mulf %mul3A_810, %get3A_808 : vector<16xf32>
      %add3A_812 = arith.addf %add3A_794, %mul3A_811 : vector<16xf32>
      %slice3A_813 = vector.extract_strided_slice %get3A_375 {offsets = [8], sizes = [1], strides = [1]} : vector<16xf32> to vector<1xf32>
      %squeeze3A_814 = vector.extract %slice3A_813[0] : f32 from vector<1xf32>
      %mul3A_815 = arith.constant 16 : i32
      %mul3A_816 = arith.muli %scan3A_339, %mul3A_815 : i32
      %add3A_817 = arith.constant 12288 : i32
      %add3A_818 = arith.addi %add3A_817, %mul3A_816 : i32
      %get3A_819 = arith.index_cast %add3A_818 : i32 to index
      %get3A_820 = tpu.vector_load %arg15[%get3A_819] {strides = array<i32>} : memref<16384xf32, #tpu.memory_space<vmem>>, vector<16xf32>,
      %mul3A_821 = arith.constant 16 : i32
      %mul3A_822 = arith.muli %scan3A_339, %mul3A_821 : i32
      %add3A_823 = arith.constant 12288 : i32
      %add3A_824 = arith.addi %add3A_823, %mul3A_822 : i32
      %get3A_825 = arith.index_cast %add3A_824 : i32 to index
      %get3A_826 = tpu.vector_load %arg14[%get3A_825] {strides = array<i32>} : memref<16384xf32, #tpu.memory_space<vmem>>, vector<16xf32>,
      %mul3A_827 = vector.broadcast %squeeze3A_814 : f32 to vector<16xf32>
      %mul3A_828 = arith.mulf %mul3A_827, %get3A_820 : vector<16xf32>
      %mul3A_829 = arith.mulf %mul3A_828, %get3A_826 : vector<16xf32>
      %add3A_830 = arith.addf %add3A_812, %mul3A_829 : vector<16xf32>
      %slice3A_831 = vector.extract_strided_slice %get3A_375 {offsets = [9], sizes = [1], strides = [1]} : vector<16xf32> to vector<1xf32>
      %squeeze3A_832 = vector.extract %slice3A_831[0] : f32 from vector<1xf32>
      %mul3A_833 = arith.constant 16 : i32
      %mul3A_834 = arith.muli %scan3A_339, %mul3A_833 : i32
      %add3A_835 = arith.constant 12800 : i32
      %add3A_836 = arith.addi %add3A_835, %mul3A_834 : i32
      %get3A_837 = arith.index_cast %add3A_836 : i32 to index
      %get3A_838 = tpu.vector_load %arg15[%get3A_837] {strides = array<i32>} : memref<16384xf32, #tpu.memory_space<vmem>>, vector<16xf32>,
      %mul3A_839 = arith.constant 16 : i32
      %mul3A_840 = arith.muli %scan3A_339, %mul3A_839 : i32
      %add3A_841 = arith.constant 12800 : i32
      %add3A_842 = arith.addi %add3A_841, %mul3A_840 : i32
      %get3A_843 = arith.index_cast %add3A_842 : i32 to index
      %get3A_844 = tpu.vector_load %arg14[%get3A_843] {strides = array<i32>} : memref<16384xf32, #tpu.memory_space<vmem>>, vector<16xf32>,
      %mul3A_845 = vector.broadcast %squeeze3A_832 : f32 to vector<16xf32>
      %mul3A_846 = arith.mulf %mul3A_845, %get3A_838 : vector<16xf32>
      %mul3A_847 = arith.mulf %mul3A_846, %get3A_844 : vector<16xf32>
      %add3A_848 = arith.addf %add3A_830, %mul3A_847 : vector<16xf32>
      %slice3A_849 = vector.extract_strided_slice %get3A_375 {offsets = [10], sizes = [1], strides = [1]} : vector<16xf32> to vector<1xf32>
      %squeeze3A_850 = vector.extract %slice3A_849[0] : f32 from vector<1xf32>
      %mul3A_851 = arith.constant 16 : i32
      %mul3A_852 = arith.muli %scan3A_339, %mul3A_851 : i32
      %add3A_853 = arith.constant 13312 : i32
      %add3A_854 = arith.addi %add3A_853, %mul3A_852 : i32
      %get3A_855 = arith.index_cast %add3A_854 : i32 to index
      %get3A_856 = tpu.vector_load %arg15[%get3A_855] {strides = array<i32>} : memref<16384xf32, #tpu.memory_space<vmem>>, vector<16xf32>,
      %mul3A_857 = arith.constant 16 : i32
      %mul3A_858 = arith.muli %scan3A_339, %mul3A_857 : i32
      %add3A_859 = arith.constant 13312 : i32
      %add3A_860 = arith.addi %add3A_859, %mul3A_858 : i32
      %get3A_861 = arith.index_cast %add3A_860 : i32 to index
      %get3A_862 = tpu.vector_load %arg14[%get3A_861] {strides = array<i32>} : memref<16384xf32, #tpu.memory_space<vmem>>, vector<16xf32>,
      %mul3A_863 = vector.broadcast %squeeze3A_850 : f32 to vector<16xf32>
      %mul3A_864 = arith.mulf %mul3A_863, %get3A_856 : vector<16xf32>
      %mul3A_865 = arith.mulf %mul3A_864, %get3A_862 : vector<16xf32>
      %add3A_866 = arith.addf %add3A_848, %mul3A_865 : vector<16xf32>
      %slice3A_867 = vector.extract_strided_slice %get3A_375 {offsets = [11], sizes = [1], strides = [1]} : vector<16xf32> to vector<1xf32>
      %squeeze3A_868 = vector.extract %slice3A_867[0] : f32 from vector<1xf32>
      %mul3A_869 = arith.constant 16 : i32
      %mul3A_870 = arith.muli %scan3A_339, %mul3A_869 : i32
      %add3A_871 = arith.constant 13824 : i32
      %add3A_872 = arith.addi %add3A_871, %mul3A_870 : i32
      %get3A_873 = arith.index_cast %add3A_872 : i32 to index
      %get3A_874 = tpu.vector_load %arg15[%get3A_873] {strides = array<i32>} : memref<16384xf32, #tpu.memory_space<vmem>>, vector<16xf32>,
      %mul3A_875 = arith.constant 16 : i32
      %mul3A_876 = arith.muli %scan3A_339, %mul3A_875 : i32
      %add3A_877 = arith.constant 13824 : i32
      %add3A_878 = arith.addi %add3A_877, %mul3A_876 : i32
      %get3A_879 = arith.index_cast %add3A_878 : i32 to index
      %get3A_880 = tpu.vector_load %arg14[%get3A_879] {strides = array<i32>} : memref<16384xf32, #tpu.memory_space<vmem>>, vector<16xf32>,
      %mul3A_881 = vector.broadcast %squeeze3A_868 : f32 to vector<16xf32>
      %mul3A_882 = arith.mulf %mul3A_881, %get3A_874 : vector<16xf32>
      %mul3A_883 = arith.mulf %mul3A_882, %get3A_880 : vector<16xf32>
      %add3A_884 = arith.addf %add3A_866, %mul3A_883 : vector<16xf32>
      %slice3A_885 = vector.extract_strided_slice %get3A_375 {offsets = [12], sizes = [1], strides = [1]} : vector<16xf32> to vector<1xf32>
      %squeeze3A_886 = vector.extract %slice3A_885[0] : f32 from vector<1xf32>
      %mul3A_887 = arith.constant 16 : i32
      %mul3A_888 = arith.muli %scan3A_339, %mul3A_887 : i32
      %add3A_889 = arith.constant 14336 : i32
      %add3A_890 = arith.addi %add3A_889, %mul3A_888 : i32
      %get3A_891 = arith.index_cast %add3A_890 : i32 to index
      %get3A_892 = tpu.vector_load %arg15[%get3A_891] {strides = array<i32>} : memref<16384xf32, #tpu.memory_space<vmem>>, vector<16xf32>,
      %mul3A_893 = arith.constant 16 : i32
      %mul3A_894 = arith.muli %scan3A_339, %mul3A_893 : i32
      %add3A_895 = arith.constant 14336 : i32
      %add3A_896 = arith.addi %add3A_895, %mul3A_894 : i32
      %get3A_897 = arith.index_cast %add3A_896 : i32 to index
      %get3A_898 = tpu.vector_load %arg14[%get3A_897] {strides = array<i32>} : memref<16384xf32, #tpu.memory_space<vmem>>, vector<16xf32>,
      %mul3A_899 = vector.broadcast %squeeze3A_886 : f32 to vector<16xf32>
      %mul3A_900 = arith.mulf %mul3A_899, %get3A_892 : vector<16xf32>
      %mul3A_901 = arith.mulf %mul3A_900, %get3A_898 : vector<16xf32>
      %add3A_902 = arith.addf %add3A_884, %mul3A_901 : vector<16xf32>
      %slice3A_903 = vector.extract_strided_slice %get3A_375 {offsets = [13], sizes = [1], strides = [1]} : vector<16xf32> to vector<1xf32>
      %squeeze3A_904 = vector.extract %slice3A_903[0] : f32 from vector<1xf32>
      %mul3A_905 = arith.constant 16 : i32
      %mul3A_906 = arith.muli %scan3A_339, %mul3A_905 : i32
      %add3A_907 = arith.constant 14848 : i32
      %add3A_908 = arith.addi %add3A_907, %mul3A_906 : i32
      %get3A_909 = arith.index_cast %add3A_908 : i32 to index
      %get3A_910 = tpu.vector_load %arg15[%get3A_909] {strides = array<i32>} : memref<16384xf32, #tpu.memory_space<vmem>>, vector<16xf32>,
      %mul3A_911 = arith.constant 16 : i32
      %mul3A_912 = arith.muli %scan3A_339, %mul3A_911 : i32
      %add3A_913 = arith.constant 14848 : i32
      %add3A_914 = arith.addi %add3A_913, %mul3A_912 : i32
      %get3A_915 = arith.index_cast %add3A_914 : i32 to index
      %get3A_916 = tpu.vector_load %arg14[%get3A_915] {strides = array<i32>} : memref<16384xf32, #tpu.memory_space<vmem>>, vector<16xf32>,
      %mul3A_917 = vector.broadcast %squeeze3A_904 : f32 to vector<16xf32>
      %mul3A_918 = arith.mulf %mul3A_917, %get3A_910 : vector<16xf32>
      %mul3A_919 = arith.mulf %mul3A_918, %get3A_916 : vector<16xf32>
      %add3A_920 = arith.addf %add3A_902, %mul3A_919 : vector<16xf32>
      %slice3A_921 = vector.extract_strided_slice %get3A_375 {offsets = [14], sizes = [1], strides = [1]} : vector<16xf32> to vector<1xf32>
      %squeeze3A_922 = vector.extract %slice3A_921[0] : f32 from vector<1xf32>
      %mul3A_923 = arith.constant 16 : i32
      %mul3A_924 = arith.muli %scan3A_339, %mul3A_923 : i32
      %add3A_925 = arith.constant 15360 : i32
      %add3A_926 = arith.addi %add3A_925, %mul3A_924 : i32
      %get3A_927 = arith.index_cast %add3A_926 : i32 to index
      %get3A_928 = tpu.vector_load %arg15[%get3A_927] {strides = array<i32>} : memref<16384xf32, #tpu.memory_space<vmem>>, vector<16xf32>,
      %mul3A_929 = arith.constant 16 : i32
      %mul3A_930 = arith.muli %scan3A_339, %mul3A_929 : i32
      %add3A_931 = arith.constant 15360 : i32
      %add3A_932 = arith.addi %add3A_931, %mul3A_930 : i32
      %get3A_933 = arith.index_cast %add3A_932 : i32 to index
      %get3A_934 = tpu.vector_load %arg14[%get3A_933] {strides = array<i32>} : memref<16384xf32, #tpu.memory_space<vmem>>, vector<16xf32>,
      %mul3A_935 = vector.broadcast %squeeze3A_922 : f32 to vector<16xf32>
      %mul3A_936 = arith.mulf %mul3A_935, %get3A_928 : vector<16xf32>
      %mul3A_937 = arith.mulf %mul3A_936, %get3A_934 : vector<16xf32>
      %add3A_938 = arith.addf %add3A_920, %mul3A_937 : vector<16xf32>
      %slice3A_939 = vector.extract_strided_slice %get3A_375 {offsets = [15], sizes = [1], strides = [1]} : vector<16xf32> to vector<1xf32>
      %squeeze3A_940 = vector.extract %slice3A_939[0] : f32 from vector<1xf32>
      %mul3A_941 = arith.constant 16 : i32
      %mul3A_942 = arith.muli %scan3A_339, %mul3A_941 : i32
      %add3A_943 = arith.constant 15872 : i32
      %add3A_944 = arith.addi %add3A_943, %mul3A_942 : i32
      %get3A_945 = arith.index_cast %add3A_944 : i32 to index
      %get3A_946 = tpu.vector_load %arg15[%get3A_945] {strides = array<i32>} : memref<16384xf32, #tpu.memory_space<vmem>>, vector<16xf32>,
      %mul3A_947 = arith.constant 16 : i32
      %mul3A_948 = arith.muli %scan3A_339, %mul3A_947 : i32
      %add3A_949 = arith.constant 15872 : i32
      %add3A_950 = arith.addi %add3A_949, %mul3A_948 : i32
      %get3A_951 = arith.index_cast %add3A_950 : i32 to index
      %get3A_952 = tpu.vector_load %arg14[%get3A_951] {strides = array<i32>} : memref<16384xf32, #tpu.memory_space<vmem>>, vector<16xf32>,
      %mul3A_953 = vector.broadcast %squeeze3A_940 : f32 to vector<16xf32>
      %mul3A_954 = arith.mulf %mul3A_953, %get3A_946 : vector<16xf32>
      %mul3A_955 = arith.mulf %mul3A_954, %get3A_952 : vector<16xf32>
      %add3A_956 = arith.addf %add3A_938, %mul3A_955 : vector<16xf32>
      %mul3A_957 = arith.constant 16 : i32
      %mul3A_958 = arith.muli %scan3A_339, %mul3A_957 : i32
      %swap3A = arith.index_cast %mul3A_958 : i32 to index
      %swap3A_959 = tpu.vector_load %arg19[%swap3A] {strides = array<i32>} : memref<512xf32, #tpu.memory_space<vmem>>, vector<16xf32>,
      tpu.vector_store %arg19[%swap3A], %add3A_956 {strides = array<i32>} : memref<512xf32, #tpu.memory_space<vmem>>, vector<16xf32>,
      %scan3A_960 = arith.constant 0 : i32
      scf.yield %scan3A_960 : i32
    }
    %scan3A_338 = arith.constant 32 : i32
    "tpu.region"() ({
      %run_scoped3A = tpu.sem_alloc : memref<!tpu.dma_semaphore, #tpu.memory_space<semaphore_mem>>
      %dma_start3A_339 = tpu.memref_slice %arg9[%mul3A_4] : memref<16384xf32, #tpu.memory_space<hbm>> -> memref<512xf32, #tpu.memory_space<hbm>>
      %dma_start3A_340 = tpu.memref_slice %arg9[%mul3A_4] : memref<16384xf32, #tpu.memory_space<hbm>> -> memref<512xf32, #tpu.memory_space<hbm>>
      tpu.enqueue_dma source(%arg19 : memref<512xf32, #tpu.memory_space<vmem>>) target(%dma_start3A_340 : memref<512xf32, #tpu.memory_space<hbm>>) target_semaphore(%run_scoped3A : memref<!tpu.dma_semaphore, #tpu.memory_space<semaphore_mem>>)
      %dma_wait3A_341 = tpu.memref_slice %arg9[%mul3A_4] : memref<16384xf32, #tpu.memory_space<hbm>> -> memref<512xf32, #tpu.memory_space<hbm>>
      %dma_wait3A_342 = tpu.memref_slice %arg9[%mul3A_4] : memref<16384xf32, #tpu.memory_space<hbm>> -> memref<512xf32, #tpu.memory_space<hbm>>
      tpu.wait_dma2 semaphore(%run_scoped3A : memref<!tpu.dma_semaphore, #tpu.memory_space<semaphore_mem>>) src(%arg19 : memref<512xf32, #tpu.memory_space<vmem>>) dst(%dma_wait3A_342 : memref<512xf32, #tpu.memory_space<hbm>>)
      tpu.yield
    }) : () -> ()
    return
  }
}

</mosaic_0001>

<sc_bundles>
// kernel: _svd_predict.3.cloned.1.call-start
scs
__scs_entry_jumppad:
0x0: {  	(pc) =	sbr.rel $0x88, $3  }
0x1: {  	(tag) =	ssettag $0x0;
	lr =	simm.s32 $0x1  }
0x2: {  	[smem:$0x3F9A] =	sst lr;
	_ =	strace $0xD0000000  }
0x3: {  	_ = 	snop  }
0x4: {  	_ = 	snop  }
0x5: {  	_ = 	snop  }
0x6: {  	_ = 	snop  }
0x7: {  	_ = 	snop  }
__scs_overlays_trampoline_lowered:
0x8: {  	[smem:$0x3FA9] =	sst s0  }
0x9: {  	[smem:$0x3FAA] =	sst s1  }
0xa: {  	[smem:$0x3FAB] =	sst s2  }
0xb: {  	[smem:$0x3FAC] =	sst s3  }
0xc: {  	[smem:$0x3FAD] =	sst s4  }
0xd: {  	[smem:$0x3FAE] =	sst s5  }
0xe: {  	[smem:$0x3FAF] =	sst s6  }
0xf: {  	[smem:$0x3FB0] =	sst s7  }
0x10: {  	[smem:$0x3FB1] =	sst s8  }
0x11: {  	[smem:$0x3FB2] =	sst s9;
	s0 =	simm.s32 @!p0 $0x0  }
0x12: {  	s1 =	sld [smem:$0x3F98];
	s0 =	simm.s32 @p0 $0x1  }
0x13: {  	[smem:$0x3FB3] =	sst s0;
	s0 =	simm.s32 @!p1 $0x0  }
0x14: {  	s2 =	sld [smem:$0x3F97];
	s0 =	simm.s32 @p1 $0x1  }
0x15: {  	[smem:$0x3FB4] =	sst s0;
	s0 =	simm.s32 @!p2 $0x0  }
0x16: {  	s3 =	sld [smem:$0x3FDB];
	s0 =	simm.s32 @p2 $0x1  }
0x17: {  	s4 =	simm.s32 $0x1BF5;
	[smem:$0x3FB6] =	sst s0  }
0x18: {  	s0 =	sld [smem:$0x3F99];
	_ =	swait.ge [sflag:s4], $0x0  }
0x19: {  	s7 =	sld [smem:$0x3F9A]  }
0x1a: {  	s8 =	sadd.s32 $0xFFFFE003, lr  }
0x1b: {  	s9 =	sadd.s32 $0xFFFFFEF7, lr;
	s5 =	simm.s32 $0xFFFFFFFF;
	p2 =	slt.u32 s8, $0xFFFFF086  }
0x1c: {  	p1 =	slt.u32 s9, $0xF7A;
	s5 =	simm.s32 @!p2 $0x0  }
0x1d: {  	s5 =	simm.s32 @p1 $0x1;
	p0 =	seq.s32 s7, s2  }
0x1e: {  	s7 =	smul.u32 @!p0 $0xF7A, s2;
	p2 =	seq.s32 @!p0 s5, $0x0  }
0x1f: {  	s9 =	smul.u32 $0xF7A, s1;
	s8 =	simm.s32 @!p0 $0x1BF5;
	p2 =	por !p2, p0  }
0x20: {  	[sflag:s8] =	ssyncset.s32 @!p0 $0xFFFFF086;
	s6 =	sadd.s32 @!p0 s3, s7;
	s7 =	simm.s32 @!p0 $0x108  }
0x21: {  	s3 =	sadd.s32 s3, s9;
	s6 =	sadd.s32 @!p0 $0x88, s6;
	s7 =	simm.s32 @p2 $0x1082  }
0x22: {  	[simem:s7], [sflag:s8] =	dma.local @!p0 [hbm:s6], $0xF7A  }
0x23: {  	s9 =	sor.u32 $0xD0000000, s2;
	s6 =	simm.s32 $0x108;
	_ =	swait.ge @!p0 [sflag:s8], $0x0  }
0x24: {  	s3 =	sadd.s32 $0x88, s3;
	s6 =	simm.s32 @!p1 $0x1082;
	[sflag:s4] =	ssyncset.s32 $0xFFFFF086  }
0x25: {  	[simem:s6], [sflag:s4] =	dma.local [hbm:s3], $0xF7A  }
0x26: {  	[smem:$0x3F9A] =	sst s1;
	(tag) =	ssettag s2;
	_ =	strace s9  }
0x27: {  	s1 =	sld [smem:$0x3FAA]  }
0x28: {  	s2 =	sld [smem:$0x3FAB]  }
0x29: {  	s4 =	sld [smem:$0x3FAD]  }
0x2a: {  	p0 =	seq.s32 s5, $0x0;
	s5 =	sld [smem:$0x3FAE]  }
0x2b: {  	s6 =	sld [smem:$0x3FAF]  }
0x2c: {  	s7 =	sld [smem:$0x3FB0]  }
0x2d: {  	s3 =	simm.s32 $0x108;
	s8 =	sld [smem:$0x3FB1]  }
0x2e: {  	s3 =	simm.s32 @!p0 $0x1082;
	s9 =	sld [smem:$0x3FB2]  }
0x2f: {  	lr =	sadd.s32 s0, s3;
	s0 =	sld [smem:$0x3FA9]  }
0x30: {  	s3 =	sld [smem:$0x3FAC]  }
0x31: {  	[smem:$0x3FB5] =	sst s10  }
0x32: {  	s10 =	sld [smem:$0x3FB3];
	_ =	sdelay $0x3  }
0x33: {  	p0 =	seq.s32 s10, $0x1;
	s10 =	sld [smem:$0x3FB5];
	_ =	sdelay $0x3  }
0x34: {  	[smem:$0x3FB5] =	sst s10  }
0x35: {  	s10 =	sld [smem:$0x3FB4];
	_ =	sdelay $0x3  }
0x36: {  	p1 =	seq.s32 s10, $0x1;
	s10 =	sld [smem:$0x3FB5];
	_ =	sdelay $0x3  }
0x37: {  	[smem:$0x3FB5] =	sst s10  }
0x38: {  	s10 =	sld [smem:$0x3FB6]  }
0x39: {  	_ = 	snop;
	(pc) =	sbr.ind lr, $3  }
0x3a: {  	_ = 	snop  }
0x3b: {  	_ = 	snop  }
0x3c: {  	p2 =	seq.s32 s10, $0x1;
	s10 =	sld [smem:$0x3FB5]  }
0x3d: {  	_ =	shalt  }
0x3e: {  	_ =	shalt  }
0x3f: {  	_ =	shalt  }
0x40: {  	_ =	shalt  }
0x41: {  	_ =	shalt  }
0x42: {  	_ =	shalt  }
0x43: {  	_ =	shalt  }
0x44: {  	_ =	shalt  }
0x45: {  	_ =	shalt  }
0x46: {  	_ =	shalt  }
0x47: {  	_ =	shalt  }
0x48: {  	_ =	shalt  }
0x49: {  	_ =	shalt  }
0x4a: {  	_ =	shalt  }
0x4b: {  	_ =	shalt  }
0x4c: {  	_ =	shalt  }
0x4d: {  	_ =	shalt  }
0x4e: {  	_ =	shalt  }
0x4f: {  	_ =	shalt  }
0x50: {  	_ =	shalt  }
0x51: {  	_ =	shalt  }
0x52: {  	_ =	shalt  }
0x53: {  	_ =	shalt  }
0x54: {  	_ =	shalt  }
0x55: {  	_ =	shalt  }
0x56: {  	_ =	shalt  }
0x57: {  	_ =	shalt  }
0x58: {  	_ =	shalt  }
0x59: {  	_ =	shalt  }
0x5a: {  	_ =	shalt  }
0x5b: {  	_ =	shalt  }
0x5c: {  	_ =	shalt  }
0x5d: {  	_ =	shalt  }
0x5e: {  	_ =	shalt  }
0x5f: {  	_ =	shalt  }
0x60: {  	_ =	shalt  }
0x61: {  	_ =	shalt  }
0x62: {  	_ =	shalt  }
0x63: {  	_ =	shalt  }
0x64: {  	_ =	shalt  }
0x65: {  	_ =	shalt  }
0x66: {  	_ =	shalt  }
0x67: {  	_ =	shalt  }
0x68: {  	_ =	shalt  }
0x69: {  	_ =	shalt  }
0x6a: {  	_ =	shalt  }
0x6b: {  	_ =	shalt  }
0x6c: {  	_ =	shalt  }
0x6d: {  	_ =	shalt  }
0x6e: {  	_ =	shalt  }
0x6f: {  	_ =	shalt  }
0x70: {  	_ =	shalt  }
0x71: {  	_ =	shalt  }
0x72: {  	_ =	shalt  }
0x73: {  	_ =	shalt  }
0x74: {  	_ =	shalt  }
0x75: {  	_ =	shalt  }
0x76: {  	_ =	shalt  }
0x77: {  	_ =	shalt  }
0x78: {  	_ =	shalt  }
0x79: {  	_ =	shalt  }
0x7a: {  	_ =	shalt  }
0x7b: {  	_ =	shalt  }
0x7c: {  	_ =	shalt  }
0x7d: {  	_ =	shalt  }
0x7e: {  	_ =	shalt  }
0x7f: {  	_ =	shalt  }
0x80: {  	_ =	shalt  }
0x81: {  	_ =	shalt  }
0x82: {  	_ =	shalt  }
0x83: {  	_ =	shalt  }
0x84: {  	_ =	shalt  }
0x85: {  	_ =	shalt  }
0x86: {  	_ =	shalt  }
0x87: {  	_ =	shalt  }
.Lfunc_end0:
.L_simem_size_0:
called_computation_lowered:
.L_overlay_start_0:
0x88: {  	s2 =	sld [smem:$0x3FD9]  }
0x89: {  	s3 =	sld [smem:$0x3FFE];
	_ =	sdelay $0x1  }
0x8a: {  	s1 =	srdreg.scid  }
0x8b: {  	s0 =	sand.u32 $0x1, s1  }
0x8c: {  	s17 =	sshll.u32 s0, $0xA;
	s2 =	sadd.s32 s3, s2  }
0x8d: {  	s2 =	sadd.s32 s2, s17  }
0x8e: {  	[smem:$0x3FC1] =	sst s2  }
0x8f: {  	_ = 	snop  }
0x90: {  	s2 =	sld [smem:$0x3FC9]  }
0x91: {  	s18 =	sld [smem:$0x3FC8]  }
0x92: {  	s4 =	sld [smem:$0x3FC6]  }
0x93: {  	s5 =	sld [smem:$0x3FC4]  }
0x94: {  	s6 =	sld [smem:$0x3FC3]  }
0x95: {  	s7 =	sld [smem:$0x3FD0];
	(tm) =	ssettm $0x1  }
0x96: {  	s8 =	sld [smem:$0x3FFB];
	_ =	sdelay $0x3  }
0x97: {  	_ =	strace s8  }
0x98: {  	s8 =	sld [smem:$0x3FFC];
	_ =	sdelay $0x3  }
0x99: {  	_ =	strace s8  }
0x9a: {  	s8 =	sld [smem:$0x3FFD];
	_ =	sdelay $0x3  }
0x9b: {  	_ =	strace s8  }
0x9c: {  	_ =	strace $0x8FFFFFFF  }
0x9d: {  	s19 =	sld [smem:$0x3FDB];
	_ =	sdelay $0x1  }
0x9e: {  	s9 =	simm.s32 $_scs_section_size  }
0x9f: {  	s10 =	simm.s32 $_size__tile_overlayer_lowered;
	s11 =	simm.s32 $_tile_overlayer_lowered  }
0xa0: {  	s22 =	simm.s32 $0x1BFF;
	s21 =	sshll.u32 s11, $0x1;
	s8 =	sadd.s32 s9, s19  }
0xa1: {  	s12 =	simm.s32 $0x0;
	s20 =	sshll.u32 s10, $0x1;
	s10 =	sadd.s32 s21, s8  }
0xa2: {  	[timem:s12], [sflag:s22] =	dma.local [hbm:s10], s20  }
0xa3: {  	_ =	swait.ge [sflag:s22], s20  }
0xa4: {  	s9 =	ssub.s32 $0x0, s20;
	[sflag:s22] =	ssyncset.done $0x0  }
0xa5: {  	[sflag:s22] =	ssyncadd.s32 s9;
	_ =	sdelay $0x1  }
0xa6: {  	s23 =	simm.s32 $0x1B8B  }
0xa7: {  	_ =	swait.ge [sflag:s23], $0x1  }
0xa8: {  	[sflag:s23] =	ssyncset.done $0x0  }
0xa9: {  	s25 =	simm.s32 $0x1B8E;
	s24 =	sld [smem:$0x3FFE];
	[sflag:s23] =	ssyncadd.s32 $0xFFFFFFFF  }
0xaa: {  	s26 =	simm.s32 $execute0_lowered;
	[smem:$0x3FD2] =	sst s25  }
0xab: {  	s10 =	sshll.u32 s26, $0x1;
	_ =	strace $0x80000046;
	[dreg:$0x1] =	wrdreg $0xFFFFFFFF  }
0xac: {  	s28 =	simm.s32 $_size_execute0_lowered;
	s8 =	sadd.s32 s8, s10;
	[dreg:$0x0] =	wrdreg $0x0  }
0xad: {  	s10 =	sshll.u32 s28, $0x1;
	[dreg:$0x2] =	wrdreg s8  }
0xae: {  	[dreg:$0x3] =	wrdreg s10  }
0xaf: {  	[dreg:$0x4] =	wrdreg $0xC0  }
0xb0: {  	_ =	task [dreg:s12], $0x5FFFF  }
0xb1: {  	[dreg:$0x1] =	wrdreg $0xFFFFFFFF  }
0xb2: {  	[dreg:$0x0] =	wrdreg $0x60  }
0xb3: {  	[dreg:$0x2] =	wrdreg s2  }
0xb4: {  	[dreg:$0x3] =	wrdreg s18  }
0xb5: {  	[dreg:$0x4] =	wrdreg s24  }
0xb6: {  	[dreg:$0x5] =	wrdreg s4  }
0xb7: {  	[dreg:$0x6] =	wrdreg s5  }
0xb8: {  	[dreg:$0x7] =	wrdreg s6  }
0xb9: {  	[dreg:$0x8] =	wrdreg s7  }
0xba: {  	[dreg:$0x9] =	wrdreg $0x9  }
0xbb: {  	_ =	task.clear_ibuf [dreg:s12], $0xAFFFF;
	_ =	strace $0x90000046  }
0xbc: {  	s29 =	simm.s32 $0x9;
	_ =	strace $0x80000048  }
0xbd: {  	_ =	swait.ge [sflag:s29], $0x1  }
0xbe: {  	[sflag:s29] =	ssyncadd.s32 $0xFFFFFFFF  }
0xbf: {  	_ =	strace $0x90000048  }
0xc0: {  	_ =	sfence  }
0xc1: {  	s30 =	sld [smem:$0x0];
	_ =	sdelay $0x2  }
0xc2: {  	s31 =	sshll.u32 s1, $0xD;
	s1 =	sshrl.u32 s1, $0x2  }
0xc3: {  	s3 =	sand.u32 $0x4000, s31;
	s1 =	sadd.s32 s1, s30  }
0xc4: {  	s0 =	sor.u32 s3, s0;
	s1 =	sshll.u32 s1, $0x11  }
0xc5: {  	s0 =	sor.u32 s1, s0  }
0xc6: {  	s0 =	sadd.s32 $0x8F2B, s0  }
0xc7: {  	[sflag:s0] =	ssyncadd.remote.s32 $0x1  }
0xc8: {  	_ =	sfence.sel $0xFFFF  }
0xc9: {  	[dreg:$0x0] =	wrdreg $0xFFFFFFFF;
	(pc) =	sbr.abs _section_cstart, $3  }
0xca: {  	[dreg:$0x1] =	wrdreg $0xFFFFFFFF  }
0xcb: {  	_ =	task.clear_ibuf [dreg:s12], $0x2FFFF;
	_ =	strace $0x9FFFFFFF  }
0xcc: {  	(tm) =	ssettm $0x7FFFFFFF  }
0xcd: {  	_ =	shalt  }
tec
execute0_lowered:
.L_overlay_start_1:
0x0: {  	(tag) =	ssettag $0x1  }
0x1: {  	s0 =	rddreg [dreg:$0x0]  }
0x2: {  	s1 =	rddreg [dreg:$0x1]  }
0x3: {  	s4 =	rddreg [dreg:$0x2]  }
0x4: {  	s2 =	rddreg [dreg:$0x4]  }
0x5: {  	s3 =	rddreg [dreg:$0x5]  }
0x6: {  	s10 =	rddreg [dreg:$0x6];
	s5 =	simm.s32 $0x0;
	s6 =	srdreg.scid  }
0x7: {  	s7 =	stileid.u32;
	s13 =	simm.s32 $0x200;
	s15 =	simm.s32 $0x80  }
0x8: {  	s21 =	simm.s32 $0x280;
	s25 =	simm.s32 $0x100;
	s28 =	simm.s32 $0x300  }
0x9: {  	s14 =	simm.s32 $0x10780;
	s16 =	simm.s32 $0x3400;
	s17 =	simm.s32 $0x7400  }
0xa: {  	s18 =	simm.s32 $0x1;
	s19 =	simm.s32 $0x8400;
	s20 =	simm.s32 $0xC400  }
0xb: {  	s22 =	simm.s32 $0x10820;
	s23 =	simm.s32 $0x0;
	[smem:$0x7FF] =	sst s5  }
0xc: {  	s6 =	sand.u32 $0x1, s6;
	s7 =	sshll.u32 s7, $0x7;
	_ =	strace $0x80000047  }
0xd: {  	s8 =	ssub.s32 $0x2, s6;
	s9 =	sshll.u32 s6, $0x6;
	s6 =	sadd.s32 $0xF42800, s4  }
0xe: {  	s11 =	sshrl.u32 s8, $0x1;
	s12 =	sor.u32 s9, s7;
	s7 =	sadd.s32 $0x1313200, s4  }
0xf: {  	s4 =	simm.s32 $0x10580;
	s31 =	ssub.s32 s8, s11;
	s8 =	sadd.s32 s0, s12  }
0x10: {  	v0 =	vlaneseq.u32;
	s9 =	sadd.s32 s1, s12;
	s10 =	sadd.s32 s10, s12;
	s12 =	simm.s32 $0x2  }
0x11: {  	v0 =	vmul.u32 $0x200, v0;
	s0 =	simm.s32 $0x180;
	s1 =	simm.s32 $0x380;
	s11 =	smax.u32 s31, $0x1  }
.LBB2_1:
0x12: {  	[tilespmem:s5], [sflag:$0x2] =	stream.linear.gather [hbm4b:s8+s5], $0x200, $0x38;
	[tilespmem:$0x10A20] =	vst v63  }
0x13: {  	_ =	swait.ge [sflag:s12], $0x200  }
0x14: {  	[sflag:s12] =	ssyncset.done $0x0  }
0x15: {  	[sflag:s12] =	ssyncadd.s32 $0xFFFFFE00  }
0x16: {  	[tilespmem:s13], [sflag:$0x2] =	stream.linear.gather [hbm4b:s9+s5], $0x200, $0x38;
	[tilespmem:$0x10A20] =	vst v63  }
0x17: {  	_ =	swait.ge [sflag:s12], $0x200  }
0x18: {  	[sflag:s12] =	ssyncset.done $0x0  }
0x19: {  	[sflag:s12] =	ssyncadd.s32 $0xFFFFFE00  }
0x1a: {  	s26 =	simm.s32 $0x10800;
	s24 =	rddreg [dreg:$0x3]  }
0x1b: {  	[tilespmem:s26], [sflag:$0x2] =	stream.linear.gather [hbm4b:s24+s5], $0x20, $0x38;
	[tilespmem:$0x10A20] =	vst v63  }
0x1c: {  	_ =	swait.ge [sflag:s12], $0x20  }
0x1d: {  	[sflag:s12] =	ssyncset.done $0x0  }
0x1e: {  	s31 =	simm.s32 $0x10400;
	[sflag:s12] =	ssyncadd.s32 $0xFFFFFFE0  }
0x1f: {  	[tilespmem:s31], [sflag:$0x1] =	stream.indirect.gather [hbm4b:s2+s15], $0x1, s5, s15, $0xb8;
	[tilespmem:$0x10A20] =	vst v63  }
0x20: {  	s26 =	simm.s32 $0x10600  }
0x21: {  	[tilespmem:s26], [sflag:$0x1] =	stream.indirect.gather [hbm4b:s3+s15], $0x1, s13, s15, $0xb8;
	[tilespmem:$0x10A20] =	vst v63  }
0x22: {  	s31 =	simm.s32 $0x400  }
0x23: {  	[tilespmem:s31], [sflag:$0x1] =	stream.indirect.gather [hbm4b:s6+s15], $0x20, s5, s15, $0xb8;
	[tilespmem:$0x10A20] =	vst v63  }
0x24: {  	s26 =	simm.s32 $0x4400  }
0x25: {  	[tilespmem:s26], [sflag:$0x1] =	stream.indirect.gather [hbm4b:s7+s15], $0x20, s13, s15, $0xb8;
	[tilespmem:$0x10A20] =	vst v63  }
0x26: {  	s31 =	simm.s32 $0x10480  }
0x27: {  	[tilespmem:s31], [sflag:$0x1] =	stream.indirect.gather [hbm4b:s2+s15], $0x1, s15, s15, $0xb8;
	[tilespmem:$0x10A20] =	vst v63  }
0x28: {  	s26 =	simm.s32 $0x10680  }
0x29: {  	[tilespmem:s26], [sflag:$0x1] =	stream.indirect.gather [hbm4b:s3+s15], $0x1, s21, s15, $0xb8;
	[tilespmem:$0x10A20] =	vst v63  }
0x2a: {  	s31 =	simm.s32 $0x1400  }
0x2b: {  	[tilespmem:s31], [sflag:$0x1] =	stream.indirect.gather [hbm4b:s6+s15], $0x20, s15, s15, $0xb8;
	[tilespmem:$0x10A20] =	vst v63  }
0x2c: {  	s26 =	simm.s32 $0x5400  }
0x2d: {  	[tilespmem:s26], [sflag:$0x1] =	stream.indirect.gather [hbm4b:s7+s15], $0x20, s21, s15, $0xb8;
	[tilespmem:$0x10A20] =	vst v63  }
0x2e: {  	s31 =	simm.s32 $0x10500  }
0x2f: {  	[tilespmem:s31], [sflag:$0x1] =	stream.indirect.gather [hbm4b:s2+s15], $0x1, s25, s15, $0xb8;
	[tilespmem:$0x10A20] =	vst v63  }
0x30: {  	s26 =	simm.s32 $0x10700  }
0x31: {  	[tilespmem:s26], [sflag:$0x1] =	stream.indirect.gather [hbm4b:s3+s15], $0x1, s28, s15, $0xb8;
	[tilespmem:$0x10A20] =	vst v63  }
0x32: {  	s31 =	simm.s32 $0x2400  }
0x33: {  	[tilespmem:s31], [sflag:$0x1] =	stream.indirect.gather [hbm4b:s6+s15], $0x20, s25, s15, $0xb8;
	[tilespmem:$0x10A20] =	vst v63  }
0x34: {  	s26 =	simm.s32 $0x6400  }
0x35: {  	[tilespmem:s26], [sflag:$0x1] =	stream.indirect.gather [hbm4b:s7+s15], $0x20, s28, s15, $0xb8;
	[tilespmem:$0x10A20] =	vst v63  }
0x36: {  	_ = 	snop  }
0x37: {  	[tilespmem:s4], [sflag:$0x1] =	stream.indirect.gather [hbm4b:s2+s15], $0x1, s0, s15, $0xb8;
	[tilespmem:$0x10A20] =	vst v63  }
0x38: {  	_ = 	snop  }
0x39: {  	[tilespmem:s14], [sflag:$0x1] =	stream.indirect.gather [hbm4b:s3+s15], $0x1, s1, s15, $0xb8;
	[tilespmem:$0x10A20] =	vst v63  }
0x3a: {  	_ = 	snop  }
0x3b: {  	[tilespmem:s16], [sflag:$0x1] =	stream.indirect.gather [hbm4b:s6+s15], $0x20, s0, s15, $0xb8;
	[tilespmem:$0x10A20] =	vst v63  }
0x3c: {  	_ = 	snop  }
0x3d: {  	[tilespmem:s17], [sflag:$0x1] =	stream.indirect.gather [hbm4b:s7+s15], $0x20, s1, s15, $0xb8;
	[tilespmem:$0x10A20] =	vst v63  }
0x3e: {  	_ =	swait.ge [sflag:s18], $0x80  }
0x3f: {  	[sflag:s18] =	ssyncset.done $0x0  }
0x40: {  	[sflag:s18] =	ssyncadd.s32 $0xFFFFFF80  }
0x41: {  	_ =	swait.ge [sflag:s18], $0x80  }
0x42: {  	[sflag:s18] =	ssyncset.done $0x0  }
0x43: {  	[sflag:s18] =	ssyncadd.s32 $0xFFFFFF80  }
0x44: {  	_ =	swait.ge [sflag:s18], $0x1000  }
0x45: {  	[sflag:s18] =	ssyncset.done $0x0  }
0x46: {  	[sflag:s18] =	ssyncadd.s32 $0xFFFFF000  }
0x47: {  	_ =	swait.ge [sflag:s18], $0x1000  }
0x48: {  	[sflag:s18] =	ssyncset.done $0x0  }
0x49: {  	[sflag:s18] =	ssyncadd.s32 $0xFFFFF000  }
0x4a: {  	_ =	swait.ge [sflag:s18], $0x80  }
0x4b: {  	[sflag:s18] =	ssyncset.done $0x0  }
0x4c: {  	[sflag:s18] =	ssyncadd.s32 $0xFFFFFF80  }
0x4d: {  	_ =	swait.ge [sflag:s18], $0x80  }
0x4e: {  	[sflag:s18] =	ssyncset.done $0x0  }
0x4f: {  	[sflag:s18] =	ssyncadd.s32 $0xFFFFFF80  }
0x50: {  	_ =	swait.ge [sflag:s18], $0x1000  }
0x51: {  	[sflag:s18] =	ssyncset.done $0x0  }
0x52: {  	[sflag:s18] =	ssyncadd.s32 $0xFFFFF000  }
0x53: {  	_ =	swait.ge [sflag:s18], $0x1000  }
0x54: {  	[sflag:s18] =	ssyncset.done $0x0  }
0x55: {  	[sflag:s18] =	ssyncadd.s32 $0xFFFFF000  }
0x56: {  	_ =	swait.ge [sflag:s18], $0x80  }
0x57: {  	[sflag:s18] =	ssyncset.done $0x0  }
0x58: {  	[sflag:s18] =	ssyncadd.s32 $0xFFFFFF80  }
0x59: {  	_ =	swait.ge [sflag:s18], $0x80  }
0x5a: {  	[sflag:s18] =	ssyncset.done $0x0  }
0x5b: {  	[sflag:s18] =	ssyncadd.s32 $0xFFFFFF80  }
0x5c: {  	_ =	swait.ge [sflag:s18], $0x1000  }
0x5d: {  	[sflag:s18] =	ssyncset.done $0x0  }
0x5e: {  	[sflag:s18] =	ssyncadd.s32 $0xFFFFF000  }
0x5f: {  	_ =	swait.ge [sflag:s18], $0x1000  }
0x60: {  	[sflag:s18] =	ssyncset.done $0x0  }
0x61: {  	[sflag:s18] =	ssyncadd.s32 $0xFFFFF000  }
0x62: {  	_ =	swait.ge [sflag:s18], $0x80  }
0x63: {  	[sflag:s18] =	ssyncset.done $0x0  }
0x64: {  	[sflag:s18] =	ssyncadd.s32 $0xFFFFFF80  }
0x65: {  	_ =	swait.ge [sflag:s18], $0x80  }
0x66: {  	[sflag:s18] =	ssyncset.done $0x0  }
0x67: {  	[sflag:s18] =	ssyncadd.s32 $0xFFFFFF80  }
0x68: {  	_ =	swait.ge [sflag:s18], $0x1000  }
0x69: {  	[sflag:s18] =	ssyncset.done $0x0  }
0x6a: {  	[sflag:s18] =	ssyncadd.s32 $0xFFFFF000  }
0x6b: {  	_ =	swait.ge [sflag:s18], $0x1000  }
0x6c: {  	[sflag:s18] =	ssyncset.done $0x0  }
0x6d: {  	s31 =	simm.s32 $0x410;
	[sflag:s18] =	ssyncadd.s32 $0xFFFFF000  }
0x6e: {  	v1 =	vor.u32 s5, v0;
	v2 =	vld [tilespmem:s31+$0xFFFFFFF0];
	_ =	sdelay $0x4  }
0x6f: {  	s24 =	simm.s32 $0x4410;
	[tilespmem:v1+s19+$0x0] =	vst.idx.msk $0xffff, v2  }
0x70: {  	v2 =	vld [tilespmem:s24+$0xFFFFFFF0];
	_ =	sdelay $0x4  }
0x71: {  	s29 =	simm.s32 $0x2000;
	[tilespmem:v1+s20+$0x0] =	vst.idx.msk $0xffff, v2  }
0x72: {  	v1 =	vor.u32 s29, v0;
	v2 =	vld [tilespmem:s31+$0x0];
	_ =	sdelay $0x4  }
0x73: {  	[tilespmem:v1+s19+$0x0] =	vst.idx.msk $0xffff, v2  }
0x74: {  	v2 =	vld [tilespmem:s24+$0x0];
	_ =	sdelay $0x4  }
0x75: {  	s26 =	simm.s32 $0x430;
	s29 =	simm.s32 $0x1;
	[tilespmem:v1+s20+$0x0] =	vst.idx.msk $0xffff, v2  }
0x76: {  	s30 =	simm.s32 $0x2;
	v1 =	vor.u32 s29, v0;
	v2 =	vld [tilespmem:s26+$0xFFFFFFF0]  }
.LBB2_2:
0x77: {  	p0 =	sne.s32 s30, $0x1FF;
	_ =	sdelay $0x3  }
0x78: {  	s24 =	sadd.s32 $0x20, s24;
	[tilespmem:v1+s19+$0x0] =	vst.idx.msk $0xffff, v2  }
0x79: {  	v2 =	vld [tilespmem:s24+$0xFFFFFFF0];
	_ =	sdelay $0x4  }
0x7a: {  	s31 =	sadd.s32 $0x2000, s29;
	s29 =	smov.u32 s30;
	[tilespmem:v1+s20+$0x0] =	vst.idx.msk $0xffff, v2  }
0x7b: {  	v1 =	vor.u32 s31, v0;
	v2 =	vld [tilespmem:s26+$0x0];
	_ =	sdelay $0x4  }
0x7c: {  	[tilespmem:v1+s19+$0x0] =	vst.idx.msk $0xffff, v2  }
0x7d: {  	v2 =	vld [tilespmem:s24+$0x0];
	_ =	sdelay $0x1  }
.Ltmp0:
0x7e: {  	(pc) =	sbr.rel @p0 .LBB2_2-.Ltmp0, $3  }
0x7f: {  	_ =	sdelay $0x1  }
0x80: {  	s26 =	sadd.s32 $0x20, s26;
	[tilespmem:v1+s20+$0x0] =	vst.idx.msk $0xffff, v2  }
0x81: {  	s30 =	sadd.s32 $0x1, s30;
	v1 =	vor.u32 s29, v0;
	v2 =	vld [tilespmem:s26+$0xFFFFFFF0]  }
0x82: {  	_ =	sdelay $0x3  }
0x83: {  	s24 =	sadd.s32 $0x20, s24;
	[tilespmem:v1+s19+$0x0] =	vst.idx.msk $0xffff, v2  }
0x84: {  	v2 =	vld [tilespmem:s24+$0xFFFFFFF0];
	_ =	sdelay $0x4  }
0x85: {  	s29 =	sadd.s32 $0x2000, s29;
	[tilespmem:v1+s20+$0x0] =	vst.idx.msk $0xffff, v2  }
0x86: {  	v1 =	vor.u32 s29, v0;
	v2 =	vld [tilespmem:s26+$0x0];
	_ =	sdelay $0x4  }
0x87: {  	[tilespmem:v1+s19+$0x0] =	vst.idx.msk $0xffff, v2  }
0x88: {  	v2 =	vld [tilespmem:s24+$0x0];
	_ =	sdelay $0x4  }
0x89: {  	s24 =	simm.s32 $0x0;
	[tilespmem:v1+s20+$0x0] =	vst.idx.msk $0xffff, v2  }
0x8a: {  	v1 =	vld [tilespmem:s24+$0xA000]  }
0x8b: {  	v3 =	vld [tilespmem:s24+$0x10400]  }
0x8c: {  	s26 =	simm.s32 $0x40;
	v2 =	vld [tilespmem:$0x10800]  }
.LBB2_4:
0x8d: {  	p0 =	sne.s32 s26, $0x7C0;
	v4 =	vld [tilespmem:s24+$0x10600]  }
0x8e: {  	v5 =	vld [tilespmem:s24+$0xC400]  }
0x8f: {  	v6 =	vld [tilespmem:s24+$0x8400]  }
0x90: {  	v7 =	vld [tilespmem:s24+$0xC600]  }
0x91: {  	v8 =	vbroadcast v2, $0x0;
	v9 =	vld [tilespmem:s24+$0x8600]  }
0x92: {  	v10 =	vld [tilespmem:s24+$0xC800]  }
0x93: {  	v5 =	vmul.f32 v5, v8;
	v8 =	vbroadcast v2, $0x1;
	v11 =	vld [tilespmem:s24+$0x8800]  }
0x94: {  	v12 =	vbroadcast v2, $0x2;
	v13 =	vld [tilespmem:s24+$0xCA00]  }
0x95: {  	v3 =	vadd.f32 v4, v3;
	v4 =	vmul.f32 v6, v5;
	v5 =	vmul.f32 v7, v8;
	v6 =	vld [tilespmem:s24+$0x8A00]  }
0x96: {  	v7 =	vbroadcast v2, $0x3;
	v8 =	vld [tilespmem:s24+$0xCC00]  }
0x97: {  	v3 =	vadd.f32 v4, v3;
	v4 =	vmul.f32 v9, v5;
	v5 =	vmul.f32 v10, v12;
	v9 =	vld [tilespmem:s24+$0x8C00]  }
0x98: {  	v10 =	vbroadcast v2, $0x4;
	v12 =	vld [tilespmem:s24+$0xCE00]  }
0x99: {  	v3 =	vadd.f32 v4, v3;
	v4 =	vmul.f32 v11, v5;
	v5 =	vmul.f32 v13, v7;
	v7 =	vld [tilespmem:s24+$0x8E00]  }
0x9a: {  	v11 =	vbroadcast v2, $0x5;
	v13 =	vld [tilespmem:s24+$0xD000]  }
0x9b: {  	v3 =	vadd.f32 v4, v3;
	v4 =	vmul.f32 v6, v5;
	v5 =	vmul.f32 v8, v10;
	v6 =	vld [tilespmem:s24+$0x9000]  }
0x9c: {  	v8 =	vbroadcast v2, $0x6;
	v10 =	vld [tilespmem:s24+$0xD200]  }
0x9d: {  	v3 =	vadd.f32 v4, v3;
	v4 =	vmul.f32 v9, v5;
	v5 =	vmul.f32 v12, v11;
	v9 =	vld [tilespmem:s24+$0x9200]  }
0x9e: {  	v11 =	vbroadcast v2, $0x7;
	v12 =	vld [tilespmem:s24+$0xD400]  }
0x9f: {  	v3 =	vadd.f32 v4, v3;
	v4 =	vmul.f32 v7, v5;
	v5 =	vmul.f32 v13, v8;
	v7 =	vld [tilespmem:s24+$0x9400]  }
0xa0: {  	v8 =	vbroadcast v2, $0x8;
	v13 =	vld [tilespmem:s24+$0xD600]  }
0xa1: {  	v3 =	vadd.f32 v4, v3;
	v4 =	vmul.f32 v6, v5;
	v5 =	vmul.f32 v10, v11;
	v6 =	vld [tilespmem:s24+$0x9600]  }
0xa2: {  	v10 =	vbroadcast v2, $0x9;
	v11 =	vld [tilespmem:s24+$0xD800]  }
0xa3: {  	v3 =	vadd.f32 v4, v3;
	v4 =	vmul.f32 v9, v5;
	v5 =	vmul.f32 v12, v8;
	v8 =	vld [tilespmem:s24+$0x9800]  }
0xa4: {  	v9 =	vbroadcast v2, $0xA;
	v12 =	vld [tilespmem:s24+$0xDA00]  }
0xa5: {  	v3 =	vadd.f32 v4, v3;
	v4 =	vmul.f32 v7, v5;
	v5 =	vmul.f32 v13, v10;
	v7 =	vld [tilespmem:s24+$0x9A00]  }
0xa6: {  	v10 =	vbroadcast v2, $0xB;
	v13 =	vld [tilespmem:s24+$0xDC00]  }
0xa7: {  	v3 =	vadd.f32 v4, v3;
	v4 =	vmul.f32 v6, v5;
	v5 =	vmul.f32 v11, v9;
	v6 =	vld [tilespmem:s24+$0x9C00]  }
0xa8: {  	v9 =	vbroadcast v2, $0xC;
	v11 =	vld [tilespmem:s24+$0xDE00]  }
0xa9: {  	v4 =	vadd.f32 v4, v3;
	v5 =	vmul.f32 v8, v5;
	v8 =	vmul.f32 v12, v10;
	v10 =	vld [tilespmem:s24+$0x9E00]  }
0xaa: {  	v12 =	vbroadcast v2, $0xD;
	v14 =	vld [tilespmem:s24+$0xE000]  }
0xab: {  	v3 =	vld [tilespmem:$0x10810];
	v4 =	vadd.f32 v5, v4;
	v5 =	vmul.f32 v7, v8;
	v7 =	vmul.f32 v13, v9  }
0xac: {  	v8 =	vbroadcast v2, $0xE;
	v9 =	vld [tilespmem:s24+$0xE200]  }
0xad: {  	v4 =	vadd.f32 v5, v4;
	v5 =	vmul.f32 v6, v7;
	v6 =	vmul.f32 v11, v12;
	v7 =	vld [tilespmem:s24+$0xA200]  }
0xae: {  	v2 =	vbroadcast v2, $0xF;
	v11 =	vld [tilespmem:s24+$0xE400]  }
0xaf: {  	v4 =	vadd.f32 v5, v4;
	v5 =	vmul.f32 v10, v6;
	v6 =	vmul.f32 v14, v8;
	v8 =	vld [tilespmem:s24+$0xA400]  }
0xb0: {  	v10 =	vbroadcast v3, $0x0;
	v12 =	vld [tilespmem:s24+$0xE600]  }
0xb1: {  	v4 =	vadd.f32 v5, v4;
	v1 =	vmul.f32 v1, v6;
	v2 =	vmul.f32 v9, v2;
	v5 =	vld [tilespmem:s24+$0xA600]  }
0xb2: {  	v6 =	vbroadcast v3, $0x1;
	v9 =	vld [tilespmem:s24+$0xE800]  }
0xb3: {  	v1 =	vadd.f32 v1, v4;
	v2 =	vmul.f32 v7, v2;
	v4 =	vmul.f32 v11, v10;
	v7 =	vld [tilespmem:s24+$0xA800]  }
0xb4: {  	v10 =	vbroadcast v3, $0x2;
	v11 =	vld [tilespmem:s24+$0xEA00]  }
0xb5: {  	v1 =	vadd.f32 v2, v1;
	v2 =	vmul.f32 v8, v4;
	v4 =	vmul.f32 v12, v6;
	v6 =	vld [tilespmem:s24+$0xAA00]  }
0xb6: {  	v8 =	vbroadcast v3, $0x3;
	v12 =	vld [tilespmem:s24+$0xEC00]  }
0xb7: {  	v1 =	vadd.f32 v2, v1;
	v2 =	vmul.f32 v5, v4;
	v4 =	vmul.f32 v9, v10;
	v5 =	vld [tilespmem:s24+$0xAC00]  }
0xb8: {  	v9 =	vbroadcast v3, $0x4;
	v10 =	vld [tilespmem:s24+$0xEE00]  }
0xb9: {  	v1 =	vadd.f32 v2, v1;
	v2 =	vmul.f32 v7, v4;
	v4 =	vmul.f32 v11, v8;
	v7 =	vld [tilespmem:s24+$0xAE00]  }
0xba: {  	v8 =	vbroadcast v3, $0x5;
	v11 =	vld [tilespmem:s24+$0xF000]  }
0xbb: {  	v1 =	vadd.f32 v2, v1;
	v2 =	vmul.f32 v6, v4;
	v4 =	vmul.f32 v12, v9;
	v6 =	vld [tilespmem:s24+$0xB000]  }
0xbc: {  	v9 =	vbroadcast v3, $0x6;
	v12 =	vld [tilespmem:s24+$0xF200]  }
0xbd: {  	v1 =	vadd.f32 v2, v1;
	v2 =	vmul.f32 v5, v4;
	v4 =	vmul.f32 v10, v8;
	v5 =	vld [tilespmem:s24+$0xB200]  }
0xbe: {  	v8 =	vbroadcast v3, $0x7;
	v10 =	vld [tilespmem:s24+$0xF400]  }
0xbf: {  	v1 =	vadd.f32 v2, v1;
	v2 =	vmul.f32 v7, v4;
	v4 =	vmul.f32 v11, v9;
	v7 =	vld [tilespmem:s24+$0xB400]  }
0xc0: {  	v9 =	vbroadcast v3, $0x8;
	v11 =	vld [tilespmem:s24+$0xF600]  }
0xc1: {  	v1 =	vadd.f32 v2, v1;
	v2 =	vmul.f32 v6, v4;
	v4 =	vmul.f32 v12, v8;
	v6 =	vld [tilespmem:s24+$0xB600]  }
0xc2: {  	v8 =	vbroadcast v3, $0x9;
	v12 =	vld [tilespmem:s24+$0xF800]  }
0xc3: {  	v1 =	vadd.f32 v2, v1;
	v2 =	vmul.f32 v5, v4;
	v4 =	vmul.f32 v10, v9;
	v5 =	vld [tilespmem:s24+$0xB800]  }
0xc4: {  	v9 =	vbroadcast v3, $0xA;
	v10 =	vld [tilespmem:s24+$0xFA00]  }
0xc5: {  	v1 =	vadd.f32 v2, v1;
	v2 =	vmul.f32 v7, v4;
	v4 =	vmul.f32 v11, v8;
	v7 =	vld [tilespmem:s24+$0xBA00]  }
0xc6: {  	v8 =	vbroadcast v3, $0xB;
	v11 =	vld [tilespmem:s24+$0xFC00]  }
0xc7: {  	v1 =	vadd.f32 v2, v1;
	v2 =	vmul.f32 v6, v4;
	v4 =	vmul.f32 v12, v9;
	v6 =	vld [tilespmem:s24+$0xBC00]  }
0xc8: {  	v9 =	vbroadcast v3, $0xC;
	v12 =	vld [tilespmem:s24+$0xFE00]  }
0xc9: {  	v1 =	vadd.f32 v2, v1;
	v2 =	vmul.f32 v5, v4;
	v4 =	vmul.f32 v10, v8;
	v5 =	vld [tilespmem:s24+$0xBE00]  }
0xca: {  	v8 =	vbroadcast v3, $0xD;
	v10 =	vld [tilespmem:s24+$0x10000]  }
0xcb: {  	v1 =	vadd.f32 v2, v1;
	v2 =	vmul.f32 v7, v4;
	v4 =	vmul.f32 v11, v9;
	v7 =	vld [tilespmem:s24+$0xC000]  }
0xcc: {  	v9 =	vbroadcast v3, $0xE;
	v11 =	vld [tilespmem:s24+$0x10200]  }
0xcd: {  	v1 =	vadd.f32 v2, v1;
	v2 =	vmul.f32 v6, v4;
	v4 =	vmul.f32 v12, v8  }
0xce: {  	v3 =	vbroadcast v3, $0xF;
	v6 =	vld [tilespmem:s24+$0xC200]  }
0xcf: {  	v1 =	vadd.f32 v2, v1;
	v2 =	vmul.f32 v5, v4;
	v4 =	vmul.f32 v10, v9;
	_ =	sdelay $0x1  }
0xd0: {  	v1 =	vadd.f32 v2, v1;
	v2 =	vmul.f32 v7, v4;
	v3 =	vmul.f32 v11, v3;
	_ =	sdelay $0x1  }
0xd1: {  	v1 =	vadd.f32 v2, v1;
	v2 =	vmul.f32 v6, v3  }
.Ltmp1:
0xd2: {  	(pc) =	sbr.rel @p0 .LBB2_4-.Ltmp1, $4  }
0xd3: {  	s29 =	sshra.s32 s26, $0x2;
	v2 =	vadd.f32 v2, v1  }
0xd4: {  	v1 =	vld [tilespmem:s29+$0xA000]  }
0xd5: {  	v3 =	vld [tilespmem:s29+$0x10400];
	[tilespmem:s24+$0x10820] =	vst v2;
	s24 =	smov.u32 s29  }
0xd6: {  	s26 =	sadd.s32 $0x40, s26;
	v2 =	vld [tilespmem:$0x10800]  }
0xd7: {  	v4 =	vld [tilespmem:s24+$0x10600]  }
0xd8: {  	v5 =	vld [tilespmem:s24+$0xC400]  }
0xd9: {  	v6 =	vld [tilespmem:s24+$0x8400]  }
0xda: {  	v7 =	vld [tilespmem:s24+$0xC600]  }
0xdb: {  	v9 =	vld [tilespmem:s24+$0x8600];
	v8 =	vbroadcast v2, $0x0  }
0xdc: {  	v10 =	vld [tilespmem:s24+$0xC800]  }
0xdd: {  	v11 =	vld [tilespmem:s24+$0x8800];
	v49 =	vbroadcast v2, $0x1;
	v5 =	vmul.f32 v5, v8  }
0xde: {  	v13 =	vld [tilespmem:s24+$0xCA00];
	v12 =	vbroadcast v2, $0x2  }
0xdf: {  	v52 =	vld [tilespmem:s24+$0x8A00];
	v3 =	vadd.f32 v4, v3;
	v51 =	vmul.f32 v7, v49;
	v50 =	vmul.f32 v6, v5  }
0xe0: {  	v54 =	vld [tilespmem:s24+$0xCC00];
	v53 =	vbroadcast v2, $0x3  }
0xe1: {  	v57 =	vld [tilespmem:s24+$0x8C00];
	v56 =	vmul.f32 v10, v12;
	v55 =	vmul.f32 v9, v51;
	v3 =	vadd.f32 v50, v3  }
0xe2: {  	v59 =	vld [tilespmem:s24+$0xCE00];
	v58 =	vbroadcast v2, $0x4  }
0xe3: {  	v62 =	vld [tilespmem:s24+$0x8E00];
	v61 =	vmul.f32 v13, v53;
	v60 =	vmul.f32 v11, v56;
	v3 =	vadd.f32 v55, v3  }
0xe4: {  	v16 =	vld [tilespmem:s24+$0xD000];
	v63 =	vbroadcast v2, $0x5  }
0xe5: {  	v19 =	vld [tilespmem:s24+$0x9000];
	v18 =	vmul.f32 v54, v58;
	v17 =	vmul.f32 v52, v61;
	v3 =	vadd.f32 v60, v3  }
0xe6: {  	v21 =	vld [tilespmem:s24+$0xD200];
	v20 =	vbroadcast v2, $0x6  }
0xe7: {  	v24 =	vld [tilespmem:s24+$0x9200];
	v23 =	vmul.f32 v59, v63;
	v22 =	vmul.f32 v57, v18;
	v3 =	vadd.f32 v17, v3  }
0xe8: {  	v26 =	vld [tilespmem:s24+$0xD400];
	v25 =	vbroadcast v2, $0x7  }
0xe9: {  	v29 =	vld [tilespmem:s24+$0x9400];
	v28 =	vmul.f32 v16, v20;
	v27 =	vmul.f32 v62, v23;
	v3 =	vadd.f32 v22, v3  }
0xea: {  	v31 =	vld [tilespmem:s24+$0xD600];
	v30 =	vbroadcast v2, $0x8  }
0xeb: {  	v34 =	vld [tilespmem:s24+$0x9600];
	v33 =	vmul.f32 v21, v25;
	v32 =	vmul.f32 v19, v28;
	v3 =	vadd.f32 v27, v3  }
0xec: {  	v36 =	vld [tilespmem:s24+$0xD800];
	v35 =	vbroadcast v2, $0x9  }
0xed: {  	v41 =	vld [tilespmem:s24+$0xDA00];
	v38 =	vmul.f32 v26, v30;
	v37 =	vmul.f32 v24, v33;
	v3 =	vadd.f32 v32, v3  }
0xee: {  	v39 =	vld [tilespmem:s24+$0x9800];
	v40 =	vbroadcast v2, $0xA  }
0xef: {  	v44 =	vld [tilespmem:s24+$0x9A00];
	v43 =	vmul.f32 v31, v35;
	v42 =	vmul.f32 v29, v38;
	v3 =	vadd.f32 v37, v3  }
0xf0: {  	v46 =	vld [tilespmem:s24+$0xDC00];
	v45 =	vbroadcast v2, $0xB  }
0xf1: {  	v48 =	vmul.f32 v36, v40;
	v49 =	vld [tilespmem:s24+$0x9C00];
	v47 =	vmul.f32 v34, v43;
	v3 =	vadd.f32 v42, v3  }
0xf2: {  	v53 =	vmul.f32 v41, v45;
	v51 =	vld [tilespmem:s24+$0xDE00]  }
0xf3: {  	v54 =	vld [tilespmem:s24+$0x9E00];
	v52 =	vmul.f32 v39, v48;
	v50 =	vbroadcast v2, $0xC;
	v3 =	vadd.f32 v47, v3  }
0xf4: {  	v56 =	vld [tilespmem:s24+$0xE000];
	v57 =	vmul.f32 v44, v53  }
0xf5: {  	v14 =	vld [tilespmem:$0x10810];
	v55 =	vbroadcast v2, $0xD;
	v58 =	vmul.f32 v46, v50;
	v3 =	vadd.f32 v52, v3  }
0xf6: {  	v59 =	vbroadcast v2, $0xE;
	v60 =	vld [tilespmem:s24+$0xE200]  }
0xf7: {  	v63 =	vld [tilespmem:s24+$0xA200];
	v61 =	vmul.f32 v49, v58;
	v62 =	vmul.f32 v51, v55;
	v3 =	vadd.f32 v57, v3  }
0xf8: {  	v13 =	vld [tilespmem:s24+$0xE400];
	v2 =	vbroadcast v2, $0xF  }
0xf9: {  	v19 =	vld [tilespmem:s24+$0xE600];
	v16 =	vmul.f32 v56, v59;
	v15 =	vmul.f32 v54, v62;
	v3 =	vadd.f32 v61, v3  }
0xfa: {  	v18 =	vbroadcast v14, $0x0;
	v17 =	vld [tilespmem:s24+$0xA400]  }
0xfb: {  	v20 =	vld [tilespmem:s24+$0xA600];
	v1 =	vmul.f32 v1, v16;
	v2 =	vmul.f32 v60, v2;
	v3 =	vadd.f32 v15, v3  }
0xfc: {  	v21 =	vbroadcast v14, $0x1;
	v22 =	vld [tilespmem:s24+$0xE800]  }
0xfd: {  	v25 =	vld [tilespmem:s24+$0xEA00];
	v2 =	vmul.f32 v63, v2;
	v1 =	vadd.f32 v1, v3;
	v3 =	vmul.f32 v13, v18  }
0xfe: {  	v23 =	vld [tilespmem:s24+$0xA800];
	v24 =	vbroadcast v14, $0x2  }
0xff: {  	v26 =	vld [tilespmem:s24+$0xAA00];
	v1 =	vadd.f32 v2, v1;
	v2 =	vmul.f32 v17, v3;
	v3 =	vmul.f32 v19, v21  }
0x100: {  	v28 =	vld [tilespmem:s24+$0xEC00];
	v27 =	vbroadcast v14, $0x3  }
0x101: {  	v31 =	vld [tilespmem:s24+$0xEE00];
	v1 =	vadd.f32 v2, v1;
	v2 =	vmul.f32 v20, v3;
	v3 =	vmul.f32 v22, v24  }
0x102: {  	v30 =	vbroadcast v14, $0x4;
	v29 =	vld [tilespmem:s24+$0xAC00]  }
0x103: {  	v34 =	vld [tilespmem:s24+$0xF000];
	v1 =	vadd.f32 v2, v1;
	v2 =	vmul.f32 v23, v3;
	v3 =	vmul.f32 v25, v27  }
0x104: {  	v33 =	vbroadcast v14, $0x5;
	v32 =	vld [tilespmem:s24+$0xAE00]  }
0x105: {  	v35 =	vld [tilespmem:s24+$0xB000];
	v1 =	vadd.f32 v2, v1;
	v2 =	vmul.f32 v26, v3;
	v3 =	vmul.f32 v28, v30  }
0x106: {  	v36 =	vbroadcast v14, $0x6;
	v37 =	vld [tilespmem:s24+$0xF200]  }
0x107: {  	v40 =	vld [tilespmem:s24+$0xF400];
	v1 =	vadd.f32 v2, v1;
	v2 =	vmul.f32 v29, v3;
	v3 =	vmul.f32 v31, v33  }
0x108: {  	v38 =	vld [tilespmem:s24+$0xB200];
	v39 =	vbroadcast v14, $0x7  }
0x109: {  	v41 =	vld [tilespmem:s24+$0xB400];
	v1 =	vadd.f32 v2, v1;
	v2 =	vmul.f32 v32, v3;
	v3 =	vmul.f32 v34, v36  }
0x10a: {  	v43 =	vld [tilespmem:s24+$0xF600];
	v42 =	vbroadcast v14, $0x8  }
0x10b: {  	v44 =	vld [tilespmem:s24+$0xB600];
	v1 =	vadd.f32 v2, v1;
	v2 =	vmul.f32 v35, v3;
	v3 =	vmul.f32 v37, v39  }
0x10c: {  	v45 =	vbroadcast v14, $0x9;
	v46 =	vld [tilespmem:s24+$0xF800]  }
0x10d: {  	v49 =	vld [tilespmem:s24+$0xFA00];
	v1 =	vadd.f32 v2, v1;
	v2 =	vmul.f32 v38, v3;
	v3 =	vmul.f32 v40, v42  }
0x10e: {  	v48 =	vbroadcast v14, $0xA;
	v47 =	vld [tilespmem:s24+$0xB800]  }
0x10f: {  	v50 =	vld [tilespmem:s24+$0xBA00];
	v1 =	vadd.f32 v2, v1;
	v2 =	vmul.f32 v41, v3;
	v3 =	vmul.f32 v43, v45  }
0x110: {  	v51 =	vbroadcast v14, $0xB;
	v52 =	vld [tilespmem:s24+$0xFC00]  }
0x111: {  	v53 =	vld [tilespmem:s24+$0xBC00];
	v1 =	vadd.f32 v2, v1;
	v2 =	vmul.f32 v44, v3;
	v3 =	vmul.f32 v46, v48  }
0x112: {  	v55 =	vld [tilespmem:s24+$0xFE00];
	v54 =	vbroadcast v14, $0xC  }
0x113: {  	v56 =	vld [tilespmem:s24+$0xBE00];
	v1 =	vadd.f32 v2, v1;
	v2 =	vmul.f32 v47, v3;
	v3 =	vmul.f32 v49, v51  }
0x114: {  	v58 =	vld [tilespmem:s24+$0x10000];
	v57 =	vbroadcast v14, $0xD  }
0x115: {  	v59 =	vld [tilespmem:s24+$0xC000];
	v1 =	vadd.f32 v2, v1;
	v2 =	vmul.f32 v50, v3;
	v3 =	vmul.f32 v52, v54  }
0x116: {  	v60 =	vbroadcast v14, $0xE;
	v61 =	vld [tilespmem:s24+$0x10200]  }
0x117: {  	v1 =	vadd.f32 v2, v1;
	v2 =	vmul.f32 v53, v3;
	v3 =	vmul.f32 v55, v57  }
0x118: {  	v62 =	vld [tilespmem:s24+$0xC200];
	v63 =	vbroadcast v14, $0xF  }
0x119: {  	v1 =	vadd.f32 v2, v1;
	v2 =	vmul.f32 v56, v3;
	v3 =	vmul.f32 v58, v60;
	_ =	sdelay $0x1  }
0x11a: {  	v1 =	vadd.f32 v2, v1;
	v2 =	vmul.f32 v59, v3;
	v3 =	vmul.f32 v61, v63;
	_ =	sdelay $0x1  }
0x11b: {  	v1 =	vadd.f32 v2, v1;
	v2 =	vmul.f32 v62, v3;
	_ =	sdelay $0x1  }
0x11c: {  	s23 =	sadd.s32 $0x1, s23;
	v1 =	vadd.f32 v2, v1  }
0x11d: {  	p0 =	sne.s32 s23, s11  }
.Ltmp2:
0x11e: {  	[tilespmem:s24+$0x10820] =	vst v1;
	(pc) =	sbr.rel @p0 .LBB2_1-.Ltmp2, $4  }
0x11f: {  	[hbm4b:s10+s5] =	stream.linear.scatter [tilespmem:s22], [sflag:$0x2], $0x200, $0x38;
	[tilespmem:$0x10A20] =	vst v63  }
0x120: {  	_ =	swait.ge [sflag:s12], $0x200  }
0x121: {  	[sflag:s12] =	ssyncset.done $0x0  }
0x122: {  	[sflag:s12] =	ssyncadd.s32 $0xFFFFFE00  }
0x123: {  	_ =	sfence.sel $0x180000  }
0x124: {  	[bflag:$0x0] =	sbarrier.arrive $0xFFFF  }
0x125: {  	_ =	strace $0x90000047  }
0x126: {  	s0 =	stileid.u32;
	[bflag:$0x2] =	sbarrier.arrive $0xFFFF  }
0x127: {  	p0 =	sne.s32 s0, $0x0;
	s0 =	rddreg [dreg:$0x7]  }
0x128: {  	s0 =	sadd.s32 @!p0 $0x100000, s0  }
0x129: {  	[sflag:s0] =	ssyncadd.tile.s32 @!p0 $0x1;
	_ =	shalt  }
.Lfunc_end2:
_tile_overlayer_lowered:
.L_overlay_start_2:
0x12a: {  	(tag) =	ssettag $0x2  }
0x12b: {  	s0 =	rddreg [dreg:$0x0];
	s2 =	stileid.u32  }
0x12c: {  	s1 =	rddreg [dreg:$0x1];
	p0 =	sne.s32 s2, $0x0  }
0x12d: {  	s3 =	rddreg [dreg:$0x2];
	[bflag:$0x3] =	sbarrier.arrive $0xFFFF;
	s2 =	simm.s32 @!p0 $0x1C02  }
0x12e: {  	[timem:s3], [sflag:s2] =	dma.local @!p0 [hbm:s0], s1  }
0x12f: {  	s0 =	simm.s32 @!p0 $0x2  }
0x130: {  	_ =	swait.ge @!p0 [sflag:s0], s1  }
0x131: {  	s1 =	ssub.s32 @!p0 $0x0, s1;
	[sflag:s0] =	ssyncset.done @!p0 $0x0  }
0x132: {  	[sflag:s0] =	ssyncadd.s32 @!p0 s1  }
0x133: {  	[bflag:$0x3] =	sbarrier.arrive $0xFFFF  }
0x134: {  	_ =	shalt  }

</sc_bundles>
